<compile_context>
chip_gen: v7x
topology: tpu7x:2x2x1
jax: 0.10.2.dev20260603
libtpu: 0.0.44.dev20260713+nightly
codegen_flags: <defaults>
</compile_context>

<pallas_src>
import functools

import numpy as np
import jax
import jax.numpy as jnp
from jax import lax
from jax.experimental import pallas as pl
from jax.experimental.pallas import tpu as pltpu
from jax.experimental.pallas import tpu_sc as plsc

NB_BINS_ = 10
_CHUNK = 16384
_UNROLL = 2


@functools.partial(jax.jit, static_argnums=(2, 3, 4))
def _sc_partials(logits, labels, nw, nc, lanes):
    n = logits.shape[0]
    per_w = n // nw
    nchunk = per_w // _CHUNK
    U = _UNROLL
    L = lanes
    vregs_per_step = U
    steps = _CHUNK // (L * vregs_per_step)

    mesh = plsc.VectorSubcoreMesh(core_axis_name="c", subcore_axis_name="s")

    @functools.partial(
        pl.kernel,
        mesh=mesh,
        compiler_params=pltpu.CompilerParams(needs_layout_passes=False),
        out_type=[
            jax.ShapeDtypeStruct((nw, U * NB_BINS_ * L), jnp.int32),
            jax.ShapeDtypeStruct((nw, U * NB_BINS_ * L), jnp.float32),
        ],
        scratch_types=[
            pltpu.VMEM((2 * _CHUNK,), jnp.float32),
            pltpu.VMEM((2 * _CHUNK,), jnp.int32),
            pltpu.VMEM((U * NB_BINS_ * L,), jnp.int32),
            pltpu.VMEM((U * NB_BINS_ * L,), jnp.float32),
            pltpu.SemaphoreType.DMA,
            pltpu.SemaphoreType.DMA,
            pltpu.SemaphoreType.DMA,
            pltpu.SemaphoreType.DMA,
        ],
    )
    def k(zi_hbm, zf_hbm, logits_hbm, labels_hbm,
          out_c_hbm, out_f_hbm,
          logb, labb, acc_c, acc_f, sl0, sa0, sl1, sa1):
        wid = lax.axis_index("s") * nc + lax.axis_index("c")
        base = wid * per_w
        log_sems = (sl0, sl1)
        lab_sems = (sa0, sa1)

        pltpu.sync_copy(zi_hbm, acc_c)
        pltpu.sync_copy(zf_hbm, acc_f)

        lane = lax.iota(jnp.int32, L)
        base_idx = [lane + (u * NB_BINS_ * L) for u in range(U)]

        def cp_log(c, slot):
            return pltpu.make_async_copy(
                logits_hbm.at[pl.ds(base + c * _CHUNK, _CHUNK)],
                logb.at[pl.ds(slot * _CHUNK, _CHUNK)],
                log_sems[slot])

        def cp_lab(c, slot):
            return pltpu.make_async_copy(
                labels_hbm.at[pl.ds(base + c * _CHUNK, _CHUNK)],
                labb.at[pl.ds(slot * _CHUNK, _CHUNK)],
                lab_sems[slot])

        cp_log(0, 0).start()
        cp_lab(0, 0).start()
        cp_log(1, 1).start()
        cp_lab(1, 1).start()

        @pl.loop(0, nchunk, step=2)
        def outer(g):
            for slot in range(2):
                c = g + slot
                cp_log(c, slot).wait()
                cp_lab(c, slot).wait()

                @plsc.parallel_loop(0, steps, unroll=8)
                def inner(i):
                    off0 = slot * _CHUNK + i * (U * L)
                    for u in range(U):
                        off = off0 + u * L
                        x = logb[pl.ds(off, L)]
                        lab = labb[pl.ds(off, L)]
                        t16 = np.float32(NB_BINS_ * L) / (1.0 + jnp.exp(-x))
                        slot_idx = (t16.astype(jnp.int32) & (-L)) + base_idx[u]
                        plsc.addupdate_scatter(
                            acc_c, [slot_idx], lab + 65536)
                        plsc.addupdate_scatter(acc_f, [slot_idx], t16)

                @pl.when(c + 2 < nchunk)
                def _():
                    cp_log(c + 2, slot).start()
                    cp_lab(c + 2, slot).start()

        pltpu.sync_copy(acc_c, out_c_hbm.at[wid])
        pltpu.sync_copy(acc_f, out_f_hbm.at[wid])

    return k(jnp.zeros((U * NB_BINS_ * L,), jnp.int32),
             jnp.zeros((U * NB_BINS_ * L,), jnp.float32),
             logits, labels)


def kernel(logits, labels):
    info = plsc.get_sparse_core_info()
    nc, ns, lanes = info.num_cores, info.num_subcores, info.num_lanes
    nw = nc * ns
    acc_c, acc_f = _sc_partials(logits, labels, nw, nc, lanes)
    acc_c = acc_c.reshape(nw, _UNROLL, NB_BINS_, lanes)
    acc_f = acc_f.reshape(nw, _UNROLL, NB_BINS_, lanes)
    cnt = jnp.sum(acc_c >> 16, axis=(0, 1, 3)).astype(jnp.float32)
    lab_s = jnp.sum(acc_c & 0xFFFF, axis=(0, 1, 3)).astype(jnp.float32)
    conf_s = jnp.sum(acc_f, axis=(0, 1, 3)) * np.float32(1.0 / (NB_BINS_ * lanes))
    safe = jnp.maximum(cnt, 1.0)
    pos = jnp.where(cnt > 0, lab_s / safe, 0.0)
    conf = jnp.where(cnt > 0, conf_s / safe, 0.0)
    return pos, conf

# --- scband reference (transcript-rebuilt; emitter-appended) ---
"""Pipeline reference for scband-reliability-diagram-44813688766553 (READ-ONLY COPY).

The authoritative reference and input builder live on the scoring server;
editing this copy changes nothing except your own understanding.
"""

import jax, jax.numpy as jnp
import numpy as np

NB_BINS = 10
N = 16777216


def setup_inputs(seed: int = 0) -> dict:
    key = jax.random.key(seed)
    k1, k2 = jax.random.split(key)
    logits = jax.random.normal(k1, (N,), dtype=jnp.float32)
    labels = jax.random.randint(k2, (N,), 0, 2, dtype=jnp.int32)
    return {"logits": logits, "labels": labels}


def reference(logits, labels):
    # Faithful translation of ReliabilityDiagram.forward (the original has a
    # typo `.itme()` for `.item()`; we implement the intended math).
    confidences = jax.nn.sigmoid(logits)
    bin_boundaries = jnp.linspace(0.0, 1.0, NB_BINS + 1)
    bin_lowers = bin_boundaries[:-1]
    bin_uppers = bin_boundaries[1:]
    labels_f = labels.astype(jnp.float32)

    positives_per_bin = []
    confidence_per_bin = []
    for i in range(NB_BINS):
        in_bin = (confidences > bin_lowers[i]) & (confidences <= bin_uppers[i])
        mf = in_bin.astype(jnp.float32)
        cnt = mf.sum()
        safe_cnt = jnp.maximum(cnt, 1.0)
        # original: labels[in_bin].float().mean() -> masked mean over in-bin elems
        pos = jnp.where(cnt > 0, (labels_f * mf).sum() / safe_cnt, 0.0)
        # original: confidences[in_bin].float().mean()
        conf = jnp.where(cnt > 0, (confidences * mf).sum() / safe_cnt, 0.0)
        positives_per_bin.append(pos)
        confidence_per_bin.append(conf)

    return (jnp.stack(positives_per_bin), jnp.stack(confidence_per_bin))

if __name__ == "__main__":
    import jax
    _d = setup_inputs()
    print(jax.jit(kernel)(*tuple(_d.values())))

</pallas_src>

<mosaic_0001>
#map = affine_map<(d0, d1) -> (0)>
#map1 = affine_map<(d0, d1) -> (0, 0)>
module attributes {stable_mosaic.version = 14 : i64} {
  func.func @k(%arg0: i32, %arg1: i32, %arg2: memref<320xi32, #tpu.memory_space<hbm>>, %arg3: memref<320xf32, #tpu.memory_space<hbm>>, %arg4: memref<16777216xf32, #tpu.memory_space<hbm>>, %arg5: memref<16777216xi32, #tpu.memory_space<hbm>>, %arg6: memref<32x320xi32, #tpu.memory_space<hbm>>, %arg7: memref<32x320xf32, #tpu.memory_space<hbm>>, %arg8: memref<32768xf32, #tpu.memory_space<vmem>>, %arg9: memref<32768xi32, #tpu.memory_space<vmem>>, %arg10: memref<320xi32, #tpu.memory_space<vmem>>, %arg11: memref<320xf32, #tpu.memory_space<vmem>>, %arg12: memref<!tpu.dma_semaphore, #tpu.memory_space<semaphore_mem>>, %arg13: memref<!tpu.dma_semaphore, #tpu.memory_space<semaphore_mem>>, %arg14: memref<!tpu.dma_semaphore, #tpu.memory_space<semaphore_mem>>, %arg15: memref<!tpu.dma_semaphore, #tpu.memory_space<semaphore_mem>>) attributes {dimension_semantics = [#tpu.dimension_semantics<core_parallel>, #tpu.dimension_semantics<subcore_parallel>], iteration_bounds = array<i64: 2, 16>, scalar_prefetch = 0 : i64, scratch_operands = 8 : i64, tpu.core_type = #tpu.core_type<sc_vector_subcore>, window_params = [{transform_indices = #map}, {transform_indices = #map}, {transform_indices = #map}, {transform_indices = #map}, {transform_indices = #map1}, {transform_indices = #map1}]} {
    %mul3A = arith.constant 2 : i32
    %mul3A_0 = arith.muli %arg1, %mul3A : i32
    %add3A = arith.addi %mul3A_0, %arg0 : i32
    %mul3A_1 = arith.constant 524288 : i32
    %mul3A_2 = arith.muli %add3A, %mul3A_1 : i32
    "tpu.region"() ({
      %run_scoped3A = tpu.sem_alloc : memref<!tpu.dma_semaphore, #tpu.memory_space<semaphore_mem>>
      tpu.enqueue_dma source(%arg2 : memref<320xi32, #tpu.memory_space<hbm>>) target(%arg10 : memref<320xi32, #tpu.memory_space<vmem>>) target_semaphore(%run_scoped3A : memref<!tpu.dma_semaphore, #tpu.memory_space<semaphore_mem>>)
      tpu.wait_dma2 semaphore(%run_scoped3A : memref<!tpu.dma_semaphore, #tpu.memory_space<semaphore_mem>>) src(%arg2 : memref<320xi32, #tpu.memory_space<hbm>>) dst(%arg10 : memref<320xi32, #tpu.memory_space<vmem>>)
      tpu.yield
    }) : () -> ()
    "tpu.region"() ({
      %run_scoped3A = tpu.sem_alloc : memref<!tpu.dma_semaphore, #tpu.memory_space<semaphore_mem>>
      tpu.enqueue_dma source(%arg3 : memref<320xf32, #tpu.memory_space<hbm>>) target(%arg11 : memref<320xf32, #tpu.memory_space<vmem>>) target_semaphore(%run_scoped3A : memref<!tpu.dma_semaphore, #tpu.memory_space<semaphore_mem>>)
      tpu.wait_dma2 semaphore(%run_scoped3A : memref<!tpu.dma_semaphore, #tpu.memory_space<semaphore_mem>>) src(%arg3 : memref<320xf32, #tpu.memory_space<hbm>>) dst(%arg11 : memref<320xf32, #tpu.memory_space<vmem>>)
      tpu.yield
    }) : () -> ()
    %iota3A = tpu.iota {dimensions = array<i32: 0>} : vector<16xi32>
    %add3A_3 = arith.constant 0 : i32
    %add3A_4 = vector.broadcast %add3A_3 : i32 to vector<16xi32>
    %add3A_5 = arith.addi %iota3A, %add3A_4 : vector<16xi32>
    %add3A_6 = arith.constant 160 : i32
    %add3A_7 = vector.broadcast %add3A_6 : i32 to vector<16xi32>
    %add3A_8 = arith.addi %iota3A, %add3A_7 : vector<16xi32>
    %add3A_9 = arith.constant 0 : i32
    %add3A_10 = arith.addi %mul3A_2, %add3A_9 : i32
    %dma_start3A = arith.constant 0 : i32
    %dma_start3A_11 = tpu.memref_slice %arg8[%dma_start3A] : memref<32768xf32, #tpu.memory_space<vmem>> -> memref<16384xf32, #tpu.memory_space<vmem>>
    %dma_start3A_12 = tpu.memref_slice %arg4[%add3A_10] : memref<16777216xf32, #tpu.memory_space<hbm>> -> memref<16384xf32, #tpu.memory_space<hbm>>
    %dma_start3A_13 = arith.constant 0 : i32
    %dma_start3A_14 = tpu.memref_slice %arg8[%dma_start3A_13] : memref<32768xf32, #tpu.memory_space<vmem>> -> memref<16384xf32, #tpu.memory_space<vmem>>
    %dma_start3A_15 = tpu.memref_slice %arg4[%add3A_10] : memref<16777216xf32, #tpu.memory_space<hbm>> -> memref<16384xf32, #tpu.memory_space<hbm>>
    tpu.enqueue_dma source(%dma_start3A_15 : memref<16384xf32, #tpu.memory_space<hbm>>) target(%dma_start3A_14 : memref<16384xf32, #tpu.memory_space<vmem>>) target_semaphore(%arg12 : memref<!tpu.dma_semaphore, #tpu.memory_space<semaphore_mem>>)
    %add3A_16 = arith.constant 0 : i32
    %add3A_17 = arith.addi %mul3A_2, %add3A_16 : i32
    %dma_start3A_18 = arith.constant 0 : i32
    %dma_start3A_19 = tpu.memref_slice %arg9[%dma_start3A_18] : memref<32768xi32, #tpu.memory_space<vmem>> -> memref<16384xi32, #tpu.memory_space<vmem>>
    %dma_start3A_20 = tpu.memref_slice %arg5[%add3A_17] : memref<16777216xi32, #tpu.memory_space<hbm>> -> memref<16384xi32, #tpu.memory_space<hbm>>
    %dma_start3A_21 = arith.constant 0 : i32
    %dma_start3A_22 = tpu.memref_slice %arg9[%dma_start3A_21] : memref<32768xi32, #tpu.memory_space<vmem>> -> memref<16384xi32, #tpu.memory_space<vmem>>
    %dma_start3A_23 = tpu.memref_slice %arg5[%add3A_17] : memref<16777216xi32, #tpu.memory_space<hbm>> -> memref<16384xi32, #tpu.memory_space<hbm>>
    tpu.enqueue_dma source(%dma_start3A_23 : memref<16384xi32, #tpu.memory_space<hbm>>) target(%dma_start3A_22 : memref<16384xi32, #tpu.memory_space<vmem>>) target_semaphore(%arg13 : memref<!tpu.dma_semaphore, #tpu.memory_space<semaphore_mem>>)
    %add3A_24 = arith.constant 16384 : i32
    %add3A_25 = arith.addi %mul3A_2, %add3A_24 : i32
    %dma_start3A_26 = arith.constant 16384 : i32
    %dma_start3A_27 = tpu.memref_slice %arg8[%dma_start3A_26] : memref<32768xf32, #tpu.memory_space<vmem>> -> memref<16384xf32, #tpu.memory_space<vmem>>
    %dma_start3A_28 = tpu.memref_slice %arg4[%add3A_25] : memref<16777216xf32, #tpu.memory_space<hbm>> -> memref<16384xf32, #tpu.memory_space<hbm>>
    %dma_start3A_29 = arith.constant 16384 : i32
    %dma_start3A_30 = tpu.memref_slice %arg8[%dma_start3A_29] : memref<32768xf32, #tpu.memory_space<vmem>> -> memref<16384xf32, #tpu.memory_space<vmem>>
    %dma_start3A_31 = tpu.memref_slice %arg4[%add3A_25] : memref<16777216xf32, #tpu.memory_space<hbm>> -> memref<16384xf32, #tpu.memory_space<hbm>>
    tpu.enqueue_dma source(%dma_start3A_31 : memref<16384xf32, #tpu.memory_space<hbm>>) target(%dma_start3A_30 : memref<16384xf32, #tpu.memory_space<vmem>>) target_semaphore(%arg14 : memref<!tpu.dma_semaphore, #tpu.memory_space<semaphore_mem>>)
    %add3A_32 = arith.constant 16384 : i32
    %add3A_33 = arith.addi %mul3A_2, %add3A_32 : i32
    %dma_start3A_34 = arith.constant 16384 : i32
    %dma_start3A_35 = tpu.memref_slice %arg9[%dma_start3A_34] : memref<32768xi32, #tpu.memory_space<vmem>> -> memref<16384xi32, #tpu.memory_space<vmem>>
    %dma_start3A_36 = tpu.memref_slice %arg5[%add3A_33] : memref<16777216xi32, #tpu.memory_space<hbm>> -> memref<16384xi32, #tpu.memory_space<hbm>>
    %dma_start3A_37 = arith.constant 16384 : i32
    %dma_start3A_38 = tpu.memref_slice %arg9[%dma_start3A_37] : memref<32768xi32, #tpu.memory_space<vmem>> -> memref<16384xi32, #tpu.memory_space<vmem>>
    %dma_start3A_39 = tpu.memref_slice %arg5[%add3A_33] : memref<16777216xi32, #tpu.memory_space<hbm>> -> memref<16384xi32, #tpu.memory_space<hbm>>
    tpu.enqueue_dma source(%dma_start3A_39 : memref<16384xi32, #tpu.memory_space<hbm>>) target(%dma_start3A_38 : memref<16384xi32, #tpu.memory_space<vmem>>) target_semaphore(%arg15 : memref<!tpu.dma_semaphore, #tpu.memory_space<semaphore_mem>>)
    %scan3A = arith.constant 0 : i32
    %scan3A_40 = arith.constant 16 : i32
    %scan3A_41 = arith.addi %scan3A, %scan3A_40 : i32
    %scan3A_42 = arith.constant 1 : i32
    scf.for %scan3A_44 = %scan3A to %scan3A_41 step %scan3A_42  : i32 {
      %mul3A_45 = arith.constant 2 : i32
      %mul3A_46 = arith.muli %scan3A_44, %mul3A_45 : i32
      %add3A_47 = arith.constant 0 : i32
      %add3A_48 = arith.addi %add3A_47, %mul3A_46 : i32
      %add3A_49 = arith.constant 0 : i32
      %add3A_50 = arith.addi %add3A_48, %add3A_49 : i32
      %mul3A_51 = arith.constant 16384 : i32
      %mul3A_52 = arith.muli %add3A_50, %mul3A_51 : i32
      %add3A_53 = arith.addi %mul3A_2, %mul3A_52 : i32
      %dma_wait3A = arith.constant 0 : i32
      %dma_wait3A_54 = tpu.memref_slice %arg8[%dma_wait3A] : memref<32768xf32, #tpu.memory_space<vmem>> -> memref<16384xf32, #tpu.memory_space<vmem>>
      %dma_wait3A_55 = tpu.memref_slice %arg4[%add3A_53] : memref<16777216xf32, #tpu.memory_space<hbm>> -> memref<16384xf32, #tpu.memory_space<hbm>>
      %dma_wait3A_56 = arith.constant 0 : i32
      %dma_wait3A_57 = tpu.memref_slice %arg8[%dma_wait3A_56] : memref<32768xf32, #tpu.memory_space<vmem>> -> memref<16384xf32, #tpu.memory_space<vmem>>
      %dma_wait3A_58 = tpu.memref_slice %arg4[%add3A_53] : memref<16777216xf32, #tpu.memory_space<hbm>> -> memref<16384xf32, #tpu.memory_space<hbm>>
      tpu.wait_dma2 semaphore(%arg12 : memref<!tpu.dma_semaphore, #tpu.memory_space<semaphore_mem>>) src(%dma_wait3A_58 : memref<16384xf32, #tpu.memory_space<hbm>>) dst(%dma_wait3A_57 : memref<16384xf32, #tpu.memory_space<vmem>>)
      %mul3A_59 = arith.constant 16384 : i32
      %mul3A_60 = arith.muli %add3A_50, %mul3A_59 : i32
      %add3A_61 = arith.addi %mul3A_2, %mul3A_60 : i32
      %dma_wait3A_62 = arith.constant 0 : i32
      %dma_wait3A_63 = tpu.memref_slice %arg9[%dma_wait3A_62] : memref<32768xi32, #tpu.memory_space<vmem>> -> memref<16384xi32, #tpu.memory_space<vmem>>
      %dma_wait3A_64 = tpu.memref_slice %arg5[%add3A_61] : memref<16777216xi32, #tpu.memory_space<hbm>> -> memref<16384xi32, #tpu.memory_space<hbm>>
      %dma_wait3A_65 = arith.constant 0 : i32
      %dma_wait3A_66 = tpu.memref_slice %arg9[%dma_wait3A_65] : memref<32768xi32, #tpu.memory_space<vmem>> -> memref<16384xi32, #tpu.memory_space<vmem>>
      %dma_wait3A_67 = tpu.memref_slice %arg5[%add3A_61] : memref<16777216xi32, #tpu.memory_space<hbm>> -> memref<16384xi32, #tpu.memory_space<hbm>>
      tpu.wait_dma2 semaphore(%arg13 : memref<!tpu.dma_semaphore, #tpu.memory_space<semaphore_mem>>) src(%dma_wait3A_67 : memref<16384xi32, #tpu.memory_space<hbm>>) dst(%dma_wait3A_66 : memref<16384xi32, #tpu.memory_space<vmem>>)
      %parallel_loop3A = arith.constant 0 : i32
      %parallel_loop3A_68 = arith.constant 512 : i32
      %parallel_loop3A_69 = arith.constant 1 : i32
      scf.for %parallel_loop3A_104 = %parallel_loop3A to %parallel_loop3A_68 step %parallel_loop3A_69  : i32 {
        %parallel_loop3A_105 = arith.constant 32 : i32
        %parallel_loop3A_106 = arith.muli %parallel_loop3A_104, %parallel_loop3A_105 : i32
        %parallel_loop3A_107 = arith.constant 0 : i32
        %parallel_loop3A_108 = arith.addi %parallel_loop3A_107, %parallel_loop3A_106 : i32
        %parallel_loop3A_109 = arith.constant 0 : i32
        %parallel_loop3A_110 = arith.addi %parallel_loop3A_108, %parallel_loop3A_109 : i32
        %parallel_loop3A_111 = arith.index_cast %parallel_loop3A_110 : i32 to index
        %parallel_loop3A_112 = tpu.vector_load %arg8[%parallel_loop3A_111] {strides = array<i32>} : memref<32768xf32, #tpu.memory_space<vmem>>, vector<16xf32>,
        %parallel_loop3A_113 = arith.index_cast %parallel_loop3A_110 : i32 to index
        %parallel_loop3A_114 = tpu.vector_load %arg9[%parallel_loop3A_113] {strides = array<i32>} : memref<32768xi32, #tpu.memory_space<vmem>>, vector<16xi32>,
        %parallel_loop3A_115 = arith.constant 0.000000e+00 : f32
        %parallel_loop3A_116 = vector.broadcast %parallel_loop3A_115 : f32 to vector<16xf32>
        %parallel_loop3A_117 = arith.subf %parallel_loop3A_116, %parallel_loop3A_112 : vector<16xf32>
        %parallel_loop3A_118 = math.exp %parallel_loop3A_117 : vector<16xf32>
        %parallel_loop3A_119 = arith.constant 1.000000e+00 : f32
        %parallel_loop3A_120 = vector.broadcast %parallel_loop3A_119 : f32 to vector<16xf32>
        %parallel_loop3A_121 = arith.addf %parallel_loop3A_120, %parallel_loop3A_118 : vector<16xf32>
        %parallel_loop3A_122 = arith.constant 1.600000e+02 : f32
        %parallel_loop3A_123 = vector.broadcast %parallel_loop3A_122 : f32 to vector<16xf32>
        %parallel_loop3A_124 = arith.divf %parallel_loop3A_123, %parallel_loop3A_121 : vector<16xf32>
        %parallel_loop3A_125 = arith.fptosi %parallel_loop3A_124 : vector<16xf32> to vector<16xi32>
        %parallel_loop3A_126 = arith.constant -16 : i32
        %parallel_loop3A_127 = vector.broadcast %parallel_loop3A_126 : i32 to vector<16xi32>
        %parallel_loop3A_128 = arith.andi %parallel_loop3A_125, %parallel_loop3A_127 : vector<16xi32>
        %parallel_loop3A_129 = arith.addi %parallel_loop3A_128, %add3A_5 : vector<16xi32>
        %parallel_loop3A_130 = arith.constant 65536 : i32
        %parallel_loop3A_131 = vector.broadcast %parallel_loop3A_130 : i32 to vector<16xi32>
        %parallel_loop3A_132 = arith.addi %parallel_loop3A_114, %parallel_loop3A_131 : vector<16xi32>
        tpu.vector_store_idx %arg10[%parallel_loop3A_129], %parallel_loop3A_132 {add = true} : memref<320xi32, #tpu.memory_space<vmem>>[vector<16xi32>], vector<16xi32>,
        tpu.vector_store_idx %arg11[%parallel_loop3A_129], %parallel_loop3A_124 {add = true} : memref<320xf32, #tpu.memory_space<vmem>>[vector<16xi32>], vector<16xf32>,
        %parallel_loop3A_133 = arith.constant 16 : i32
        %parallel_loop3A_134 = arith.addi %parallel_loop3A_108, %parallel_loop3A_133 : i32
        %parallel_loop3A_135 = arith.index_cast %parallel_loop3A_134 : i32 to index
        %parallel_loop3A_136 = tpu.vector_load %arg8[%parallel_loop3A_135] {strides = array<i32>} : memref<32768xf32, #tpu.memory_space<vmem>>, vector<16xf32>,
        %parallel_loop3A_137 = arith.index_cast %parallel_loop3A_134 : i32 to index
        %parallel_loop3A_138 = tpu.vector_load %arg9[%parallel_loop3A_137] {strides = array<i32>} : memref<32768xi32, #tpu.memory_space<vmem>>, vector<16xi32>,
        %parallel_loop3A_139 = arith.constant 0.000000e+00 : f32
        %parallel_loop3A_140 = vector.broadcast %parallel_loop3A_139 : f32 to vector<16xf32>
        %parallel_loop3A_141 = arith.subf %parallel_loop3A_140, %parallel_loop3A_136 : vector<16xf32>
        %parallel_loop3A_142 = math.exp %parallel_loop3A_141 : vector<16xf32>
        %parallel_loop3A_143 = arith.constant 1.000000e+00 : f32
        %parallel_loop3A_144 = vector.broadcast %parallel_loop3A_143 : f32 to vector<16xf32>
        %parallel_loop3A_145 = arith.addf %parallel_loop3A_144, %parallel_loop3A_142 : vector<16xf32>
        %parallel_loop3A_146 = arith.constant 1.600000e+02 : f32
        %parallel_loop3A_147 = vector.broadcast %parallel_loop3A_146 : f32 to vector<16xf32>
        %parallel_loop3A_148 = arith.divf %parallel_loop3A_147, %parallel_loop3A_145 : vector<16xf32>
        %parallel_loop3A_149 = arith.fptosi %parallel_loop3A_148 : vector<16xf32> to vector<16xi32>
        %parallel_loop3A_150 = arith.constant -16 : i32
        %parallel_loop3A_151 = vector.broadcast %parallel_loop3A_150 : i32 to vector<16xi32>
        %parallel_loop3A_152 = arith.andi %parallel_loop3A_149, %parallel_loop3A_151 : vector<16xi32>
        %parallel_loop3A_153 = arith.addi %parallel_loop3A_152, %add3A_8 : vector<16xi32>
        %parallel_loop3A_154 = arith.constant 65536 : i32
        %parallel_loop3A_155 = vector.broadcast %parallel_loop3A_154 : i32 to vector<16xi32>
        %parallel_loop3A_156 = arith.addi %parallel_loop3A_138, %parallel_loop3A_155 : vector<16xi32>
        tpu.vector_store_idx %arg10[%parallel_loop3A_153], %parallel_loop3A_156 {add = true} : memref<320xi32, #tpu.memory_space<vmem>>[vector<16xi32>], vector<16xi32>,
        tpu.vector_store_idx %arg11[%parallel_loop3A_153], %parallel_loop3A_148 {add = true} : memref<320xf32, #tpu.memory_space<vmem>>[vector<16xi32>], vector<16xf32>,
      } {sc.loop_unroll_factor = 8 : i64, sc.parallel_access}
      %add3A_70 = arith.constant 2 : i32
      %add3A_71 = arith.addi %add3A_50, %add3A_70 : i32
      %lt3A = arith.constant 32 : i32
      %lt3A_72 = arith.cmpi slt, %add3A_71, %lt3A : i32
      %convert_element_type3A = arith.extui %lt3A_72 : i1 to i32
      %cond3A = arith.constant 0 : i32
      %cond3A_73 = arith.cmpi ne, %convert_element_type3A, %cond3A : i32
      scf.if %cond3A_73 {
        %add3A_104 = arith.constant 2 : i32
        %add3A_105 = arith.addi %add3A_50, %add3A_104 : i32
        %mul3A_106 = arith.constant 16384 : i32
        %mul3A_107 = arith.muli %add3A_105, %mul3A_106 : i32
        %add3A_108 = arith.addi %mul3A_2, %mul3A_107 : i32
        %dma_start3A_109 = arith.constant 0 : i32
        %dma_start3A_110 = tpu.memref_slice %arg8[%dma_start3A_109] : memref<32768xf32, #tpu.memory_space<vmem>> -> memref<16384xf32, #tpu.memory_space<vmem>>
        %dma_start3A_111 = tpu.memref_slice %arg4[%add3A_108] : memref<16777216xf32, #tpu.memory_space<hbm>> -> memref<16384xf32, #tpu.memory_space<hbm>>
        %dma_start3A_112 = arith.constant 0 : i32
        %dma_start3A_113 = tpu.memref_slice %arg8[%dma_start3A_112] : memref<32768xf32, #tpu.memory_space<vmem>> -> memref<16384xf32, #tpu.memory_space<vmem>>
        %dma_start3A_114 = tpu.memref_slice %arg4[%add3A_108] : memref<16777216xf32, #tpu.memory_space<hbm>> -> memref<16384xf32, #tpu.memory_space<hbm>>
        tpu.enqueue_dma source(%dma_start3A_114 : memref<16384xf32, #tpu.memory_space<hbm>>) target(%dma_start3A_113 : memref<16384xf32, #tpu.memory_space<vmem>>) target_semaphore(%arg12 : memref<!tpu.dma_semaphore, #tpu.memory_space<semaphore_mem>>)
        %add3A_115 = arith.constant 2 : i32
        %add3A_116 = arith.addi %add3A_50, %add3A_115 : i32
        %mul3A_117 = arith.constant 16384 : i32
        %mul3A_118 = arith.muli %add3A_116, %mul3A_117 : i32
        %add3A_119 = arith.addi %mul3A_2, %mul3A_118 : i32
        %dma_start3A_120 = arith.constant 0 : i32
        %dma_start3A_121 = tpu.memref_slice %arg9[%dma_start3A_120] : memref<32768xi32, #tpu.memory_space<vmem>> -> memref<16384xi32, #tpu.memory_space<vmem>>
        %dma_start3A_122 = tpu.memref_slice %arg5[%add3A_119] : memref<16777216xi32, #tpu.memory_space<hbm>> -> memref<16384xi32, #tpu.memory_space<hbm>>
        %dma_start3A_123 = arith.constant 0 : i32
        %dma_start3A_124 = tpu.memref_slice %arg9[%dma_start3A_123] : memref<32768xi32, #tpu.memory_space<vmem>> -> memref<16384xi32, #tpu.memory_space<vmem>>
        %dma_start3A_125 = tpu.memref_slice %arg5[%add3A_119] : memref<16777216xi32, #tpu.memory_space<hbm>> -> memref<16384xi32, #tpu.memory_space<hbm>>
        tpu.enqueue_dma source(%dma_start3A_125 : memref<16384xi32, #tpu.memory_space<hbm>>) target(%dma_start3A_124 : memref<16384xi32, #tpu.memory_space<vmem>>) target_semaphore(%arg13 : memref<!tpu.dma_semaphore, #tpu.memory_space<semaphore_mem>>)
      } else {
      }
      %add3A_74 = arith.constant 1 : i32
      %add3A_75 = arith.addi %add3A_48, %add3A_74 : i32
      %mul3A_76 = arith.constant 16384 : i32
      %mul3A_77 = arith.muli %add3A_75, %mul3A_76 : i32
      %add3A_78 = arith.addi %mul3A_2, %mul3A_77 : i32
      %dma_wait3A_79 = arith.constant 16384 : i32
      %dma_wait3A_80 = tpu.memref_slice %arg8[%dma_wait3A_79] : memref<32768xf32, #tpu.memory_space<vmem>> -> memref<16384xf32, #tpu.memory_space<vmem>>
      %dma_wait3A_81 = tpu.memref_slice %arg4[%add3A_78] : memref<16777216xf32, #tpu.memory_space<hbm>> -> memref<16384xf32, #tpu.memory_space<hbm>>
      %dma_wait3A_82 = arith.constant 16384 : i32
      %dma_wait3A_83 = tpu.memref_slice %arg8[%dma_wait3A_82] : memref<32768xf32, #tpu.memory_space<vmem>> -> memref<16384xf32, #tpu.memory_space<vmem>>
      %dma_wait3A_84 = tpu.memref_slice %arg4[%add3A_78] : memref<16777216xf32, #tpu.memory_space<hbm>> -> memref<16384xf32, #tpu.memory_space<hbm>>
      tpu.wait_dma2 semaphore(%arg14 : memref<!tpu.dma_semaphore, #tpu.memory_space<semaphore_mem>>) src(%dma_wait3A_84 : memref<16384xf32, #tpu.memory_space<hbm>>) dst(%dma_wait3A_83 : memref<16384xf32, #tpu.memory_space<vmem>>)
      %mul3A_85 = arith.constant 16384 : i32
      %mul3A_86 = arith.muli %add3A_75, %mul3A_85 : i32
      %add3A_87 = arith.addi %mul3A_2, %mul3A_86 : i32
      %dma_wait3A_88 = arith.constant 16384 : i32
      %dma_wait3A_89 = tpu.memref_slice %arg9[%dma_wait3A_88] : memref<32768xi32, #tpu.memory_space<vmem>> -> memref<16384xi32, #tpu.memory_space<vmem>>
      %dma_wait3A_90 = tpu.memref_slice %arg5[%add3A_87] : memref<16777216xi32, #tpu.memory_space<hbm>> -> memref<16384xi32, #tpu.memory_space<hbm>>
      %dma_wait3A_91 = arith.constant 16384 : i32
      %dma_wait3A_92 = tpu.memref_slice %arg9[%dma_wait3A_91] : memref<32768xi32, #tpu.memory_space<vmem>> -> memref<16384xi32, #tpu.memory_space<vmem>>
      %dma_wait3A_93 = tpu.memref_slice %arg5[%add3A_87] : memref<16777216xi32, #tpu.memory_space<hbm>> -> memref<16384xi32, #tpu.memory_space<hbm>>
      tpu.wait_dma2 semaphore(%arg15 : memref<!tpu.dma_semaphore, #tpu.memory_space<semaphore_mem>>) src(%dma_wait3A_93 : memref<16384xi32, #tpu.memory_space<hbm>>) dst(%dma_wait3A_92 : memref<16384xi32, #tpu.memory_space<vmem>>)
      %parallel_loop3A_94 = arith.constant 0 : i32
      %parallel_loop3A_95 = arith.constant 512 : i32
      %parallel_loop3A_96 = arith.constant 1 : i32
      scf.for %parallel_loop3A_104 = %parallel_loop3A_94 to %parallel_loop3A_95 step %parallel_loop3A_96  : i32 {
        %parallel_loop3A_105 = arith.constant 32 : i32
        %parallel_loop3A_106 = arith.muli %parallel_loop3A_104, %parallel_loop3A_105 : i32
        %parallel_loop3A_107 = arith.constant 16384 : i32
        %parallel_loop3A_108 = arith.addi %parallel_loop3A_107, %parallel_loop3A_106 : i32
        %parallel_loop3A_109 = arith.constant 0 : i32
        %parallel_loop3A_110 = arith.addi %parallel_loop3A_108, %parallel_loop3A_109 : i32
        %parallel_loop3A_111 = arith.index_cast %parallel_loop3A_110 : i32 to index
        %parallel_loop3A_112 = tpu.vector_load %arg8[%parallel_loop3A_111] {strides = array<i32>} : memref<32768xf32, #tpu.memory_space<vmem>>, vector<16xf32>,
        %parallel_loop3A_113 = arith.index_cast %parallel_loop3A_110 : i32 to index
        %parallel_loop3A_114 = tpu.vector_load %arg9[%parallel_loop3A_113] {strides = array<i32>} : memref<32768xi32, #tpu.memory_space<vmem>>, vector<16xi32>,
        %parallel_loop3A_115 = arith.constant 0.000000e+00 : f32
        %parallel_loop3A_116 = vector.broadcast %parallel_loop3A_115 : f32 to vector<16xf32>
        %parallel_loop3A_117 = arith.subf %parallel_loop3A_116, %parallel_loop3A_112 : vector<16xf32>
        %parallel_loop3A_118 = math.exp %parallel_loop3A_117 : vector<16xf32>
        %parallel_loop3A_119 = arith.constant 1.000000e+00 : f32
        %parallel_loop3A_120 = vector.broadcast %parallel_loop3A_119 : f32 to vector<16xf32>
        %parallel_loop3A_121 = arith.addf %parallel_loop3A_120, %parallel_loop3A_118 : vector<16xf32>
        %parallel_loop3A_122 = arith.constant 1.600000e+02 : f32
        %parallel_loop3A_123 = vector.broadcast %parallel_loop3A_122 : f32 to vector<16xf32>
        %parallel_loop3A_124 = arith.divf %parallel_loop3A_123, %parallel_loop3A_121 : vector<16xf32>
        %parallel_loop3A_125 = arith.fptosi %parallel_loop3A_124 : vector<16xf32> to vector<16xi32>
        %parallel_loop3A_126 = arith.constant -16 : i32
        %parallel_loop3A_127 = vector.broadcast %parallel_loop3A_126 : i32 to vector<16xi32>
        %parallel_loop3A_128 = arith.andi %parallel_loop3A_125, %parallel_loop3A_127 : vector<16xi32>
        %parallel_loop3A_129 = arith.addi %parallel_loop3A_128, %add3A_5 : vector<16xi32>
        %parallel_loop3A_130 = arith.constant 65536 : i32
        %parallel_loop3A_131 = vector.broadcast %parallel_loop3A_130 : i32 to vector<16xi32>
        %parallel_loop3A_132 = arith.addi %parallel_loop3A_114, %parallel_loop3A_131 : vector<16xi32>
        tpu.vector_store_idx %arg10[%parallel_loop3A_129], %parallel_loop3A_132 {add = true} : memref<320xi32, #tpu.memory_space<vmem>>[vector<16xi32>], vector<16xi32>,
        tpu.vector_store_idx %arg11[%parallel_loop3A_129], %parallel_loop3A_124 {add = true} : memref<320xf32, #tpu.memory_space<vmem>>[vector<16xi32>], vector<16xf32>,
        %parallel_loop3A_133 = arith.constant 16 : i32
        %parallel_loop3A_134 = arith.addi %parallel_loop3A_108, %parallel_loop3A_133 : i32
        %parallel_loop3A_135 = arith.index_cast %parallel_loop3A_134 : i32 to index
        %parallel_loop3A_136 = tpu.vector_load %arg8[%parallel_loop3A_135] {strides = array<i32>} : memref<32768xf32, #tpu.memory_space<vmem>>, vector<16xf32>,
        %parallel_loop3A_137 = arith.index_cast %parallel_loop3A_134 : i32 to index
        %parallel_loop3A_138 = tpu.vector_load %arg9[%parallel_loop3A_137] {strides = array<i32>} : memref<32768xi32, #tpu.memory_space<vmem>>, vector<16xi32>,
        %parallel_loop3A_139 = arith.constant 0.000000e+00 : f32
        %parallel_loop3A_140 = vector.broadcast %parallel_loop3A_139 : f32 to vector<16xf32>
        %parallel_loop3A_141 = arith.subf %parallel_loop3A_140, %parallel_loop3A_136 : vector<16xf32>
        %parallel_loop3A_142 = math.exp %parallel_loop3A_141 : vector<16xf32>
        %parallel_loop3A_143 = arith.constant 1.000000e+00 : f32
        %parallel_loop3A_144 = vector.broadcast %parallel_loop3A_143 : f32 to vector<16xf32>
        %parallel_loop3A_145 = arith.addf %parallel_loop3A_144, %parallel_loop3A_142 : vector<16xf32>
        %parallel_loop3A_146 = arith.constant 1.600000e+02 : f32
        %parallel_loop3A_147 = vector.broadcast %parallel_loop3A_146 : f32 to vector<16xf32>
        %parallel_loop3A_148 = arith.divf %parallel_loop3A_147, %parallel_loop3A_145 : vector<16xf32>
        %parallel_loop3A_149 = arith.fptosi %parallel_loop3A_148 : vector<16xf32> to vector<16xi32>
        %parallel_loop3A_150 = arith.constant -16 : i32
        %parallel_loop3A_151 = vector.broadcast %parallel_loop3A_150 : i32 to vector<16xi32>
        %parallel_loop3A_152 = arith.andi %parallel_loop3A_149, %parallel_loop3A_151 : vector<16xi32>
        %parallel_loop3A_153 = arith.addi %parallel_loop3A_152, %add3A_8 : vector<16xi32>
        %parallel_loop3A_154 = arith.constant 65536 : i32
        %parallel_loop3A_155 = vector.broadcast %parallel_loop3A_154 : i32 to vector<16xi32>
        %parallel_loop3A_156 = arith.addi %parallel_loop3A_138, %parallel_loop3A_155 : vector<16xi32>
        tpu.vector_store_idx %arg10[%parallel_loop3A_153], %parallel_loop3A_156 {add = true} : memref<320xi32, #tpu.memory_space<vmem>>[vector<16xi32>], vector<16xi32>,
        tpu.vector_store_idx %arg11[%parallel_loop3A_153], %parallel_loop3A_148 {add = true} : memref<320xf32, #tpu.memory_space<vmem>>[vector<16xi32>], vector<16xf32>,
      } {sc.loop_unroll_factor = 8 : i64, sc.parallel_access}
      %add3A_97 = arith.constant 2 : i32
      %add3A_98 = arith.addi %add3A_75, %add3A_97 : i32
      %lt3A_99 = arith.constant 32 : i32
      %lt3A_100 = arith.cmpi slt, %add3A_98, %lt3A_99 : i32
      %convert_element_type3A_101 = arith.extui %lt3A_100 : i1 to i32
      %cond3A_102 = arith.constant 0 : i32
      %cond3A_103 = arith.cmpi ne, %convert_element_type3A_101, %cond3A_102 : i32
      scf.if %cond3A_103 {
        %add3A_104 = arith.constant 2 : i32
        %add3A_105 = arith.addi %add3A_75, %add3A_104 : i32
        %mul3A_106 = arith.constant 16384 : i32
        %mul3A_107 = arith.muli %add3A_105, %mul3A_106 : i32
        %add3A_108 = arith.addi %mul3A_2, %mul3A_107 : i32
        %dma_start3A_109 = arith.constant 16384 : i32
        %dma_start3A_110 = tpu.memref_slice %arg8[%dma_start3A_109] : memref<32768xf32, #tpu.memory_space<vmem>> -> memref<16384xf32, #tpu.memory_space<vmem>>
        %dma_start3A_111 = tpu.memref_slice %arg4[%add3A_108] : memref<16777216xf32, #tpu.memory_space<hbm>> -> memref<16384xf32, #tpu.memory_space<hbm>>
        %dma_start3A_112 = arith.constant 16384 : i32
        %dma_start3A_113 = tpu.memref_slice %arg8[%dma_start3A_112] : memref<32768xf32, #tpu.memory_space<vmem>> -> memref<16384xf32, #tpu.memory_space<vmem>>
        %dma_start3A_114 = tpu.memref_slice %arg4[%add3A_108] : memref<16777216xf32, #tpu.memory_space<hbm>> -> memref<16384xf32, #tpu.memory_space<hbm>>
        tpu.enqueue_dma source(%dma_start3A_114 : memref<16384xf32, #tpu.memory_space<hbm>>) target(%dma_start3A_113 : memref<16384xf32, #tpu.memory_space<vmem>>) target_semaphore(%arg14 : memref<!tpu.dma_semaphore, #tpu.memory_space<semaphore_mem>>)
        %add3A_115 = arith.constant 2 : i32
        %add3A_116 = arith.addi %add3A_75, %add3A_115 : i32
        %mul3A_117 = arith.constant 16384 : i32
        %mul3A_118 = arith.muli %add3A_116, %mul3A_117 : i32
        %add3A_119 = arith.addi %mul3A_2, %mul3A_118 : i32
        %dma_start3A_120 = arith.constant 16384 : i32
        %dma_start3A_121 = tpu.memref_slice %arg9[%dma_start3A_120] : memref<32768xi32, #tpu.memory_space<vmem>> -> memref<16384xi32, #tpu.memory_space<vmem>>
        %dma_start3A_122 = tpu.memref_slice %arg5[%add3A_119] : memref<16777216xi32, #tpu.memory_space<hbm>> -> memref<16384xi32, #tpu.memory_space<hbm>>
        %dma_start3A_123 = arith.constant 16384 : i32
        %dma_start3A_124 = tpu.memref_slice %arg9[%dma_start3A_123] : memref<32768xi32, #tpu.memory_space<vmem>> -> memref<16384xi32, #tpu.memory_space<vmem>>
        %dma_start3A_125 = tpu.memref_slice %arg5[%add3A_119] : memref<16777216xi32, #tpu.memory_space<hbm>> -> memref<16384xi32, #tpu.memory_space<hbm>>
        tpu.enqueue_dma source(%dma_start3A_125 : memref<16384xi32, #tpu.memory_space<hbm>>) target(%dma_start3A_124 : memref<16384xi32, #tpu.memory_space<vmem>>) target_semaphore(%arg15 : memref<!tpu.dma_semaphore, #tpu.memory_space<semaphore_mem>>)
      } else {
      }
    }
    %scan3A_43 = arith.constant 16 : i32
    "tpu.region"() ({
      %run_scoped3A = tpu.sem_alloc : memref<!tpu.dma_semaphore, #tpu.memory_space<semaphore_mem>>
      %dma_start3A_44 = arith.constant 0 : i32
      %dma_start3A_45 = tpu.memref_slice %arg6[%add3A, %dma_start3A_44] : memref<32x320xi32, #tpu.memory_space<hbm>> -> memref<1x320xi32, #tpu.memory_space<hbm>>
      %dma_start3A_46 = tpu.memref_squeeze %dma_start3A_45 : memref<1x320xi32, #tpu.memory_space<hbm>> -> memref<320xi32, #tpu.memory_space<hbm>>
      %dma_start3A_47 = arith.constant 0 : i32
      %dma_start3A_48 = tpu.memref_slice %arg6[%add3A, %dma_start3A_47] : memref<32x320xi32, #tpu.memory_space<hbm>> -> memref<1x320xi32, #tpu.memory_space<hbm>>
      %dma_start3A_49 = tpu.memref_squeeze %dma_start3A_48 : memref<1x320xi32, #tpu.memory_space<hbm>> -> memref<320xi32, #tpu.memory_space<hbm>>
      tpu.enqueue_dma source(%arg10 : memref<320xi32, #tpu.memory_space<vmem>>) target(%dma_start3A_49 : memref<320xi32, #tpu.memory_space<hbm>>) target_semaphore(%run_scoped3A : memref<!tpu.dma_semaphore, #tpu.memory_space<semaphore_mem>>)
      %dma_wait3A = arith.constant 0 : i32
      %dma_wait3A_50 = tpu.memref_slice %arg6[%add3A, %dma_wait3A] : memref<32x320xi32, #tpu.memory_space<hbm>> -> memref<1x320xi32, #tpu.memory_space<hbm>>
      %dma_wait3A_51 = tpu.memref_squeeze %dma_wait3A_50 : memref<1x320xi32, #tpu.memory_space<hbm>> -> memref<320xi32, #tpu.memory_space<hbm>>
      %dma_wait3A_52 = arith.constant 0 : i32
      %dma_wait3A_53 = tpu.memref_slice %arg6[%add3A, %dma_wait3A_52] : memref<32x320xi32, #tpu.memory_space<hbm>> -> memref<1x320xi32, #tpu.memory_space<hbm>>
      %dma_wait3A_54 = tpu.memref_squeeze %dma_wait3A_53 : memref<1x320xi32, #tpu.memory_space<hbm>> -> memref<320xi32, #tpu.memory_space<hbm>>
      tpu.wait_dma2 semaphore(%run_scoped3A : memref<!tpu.dma_semaphore, #tpu.memory_space<semaphore_mem>>) src(%arg10 : memref<320xi32, #tpu.memory_space<vmem>>) dst(%dma_wait3A_54 : memref<320xi32, #tpu.memory_space<hbm>>)
      tpu.yield
    }) : () -> ()
    "tpu.region"() ({
      %run_scoped3A = tpu.sem_alloc : memref<!tpu.dma_semaphore, #tpu.memory_space<semaphore_mem>>
      %dma_start3A_44 = arith.constant 0 : i32
      %dma_start3A_45 = tpu.memref_slice %arg7[%add3A, %dma_start3A_44] : memref<32x320xf32, #tpu.memory_space<hbm>> -> memref<1x320xf32, #tpu.memory_space<hbm>>
      %dma_start3A_46 = tpu.memref_squeeze %dma_start3A_45 : memref<1x320xf32, #tpu.memory_space<hbm>> -> memref<320xf32, #tpu.memory_space<hbm>>
      %dma_start3A_47 = arith.constant 0 : i32
      %dma_start3A_48 = tpu.memref_slice %arg7[%add3A, %dma_start3A_47] : memref<32x320xf32, #tpu.memory_space<hbm>> -> memref<1x320xf32, #tpu.memory_space<hbm>>
      %dma_start3A_49 = tpu.memref_squeeze %dma_start3A_48 : memref<1x320xf32, #tpu.memory_space<hbm>> -> memref<320xf32, #tpu.memory_space<hbm>>
      tpu.enqueue_dma source(%arg11 : memref<320xf32, #tpu.memory_space<vmem>>) target(%dma_start3A_49 : memref<320xf32, #tpu.memory_space<hbm>>) target_semaphore(%run_scoped3A : memref<!tpu.dma_semaphore, #tpu.memory_space<semaphore_mem>>)
      %dma_wait3A = arith.constant 0 : i32
      %dma_wait3A_50 = tpu.memref_slice %arg7[%add3A, %dma_wait3A] : memref<32x320xf32, #tpu.memory_space<hbm>> -> memref<1x320xf32, #tpu.memory_space<hbm>>
      %dma_wait3A_51 = tpu.memref_squeeze %dma_wait3A_50 : memref<1x320xf32, #tpu.memory_space<hbm>> -> memref<320xf32, #tpu.memory_space<hbm>>
      %dma_wait3A_52 = arith.constant 0 : i32
      %dma_wait3A_53 = tpu.memref_slice %arg7[%add3A, %dma_wait3A_52] : memref<32x320xf32, #tpu.memory_space<hbm>> -> memref<1x320xf32, #tpu.memory_space<hbm>>
      %dma_wait3A_54 = tpu.memref_squeeze %dma_wait3A_53 : memref<1x320xf32, #tpu.memory_space<hbm>> -> memref<320xf32, #tpu.memory_space<hbm>>
      tpu.wait_dma2 semaphore(%run_scoped3A : memref<!tpu.dma_semaphore, #tpu.memory_space<semaphore_mem>>) src(%arg11 : memref<320xf32, #tpu.memory_space<vmem>>) dst(%dma_wait3A_54 : memref<320xf32, #tpu.memory_space<hbm>>)
      tpu.yield
    }) : () -> ()
    return
  }
}

</mosaic_0001>

<sc_bundles>
// kernel: _sc_partials.3.cloned.1.call-start
scs
__scs_entry_jumppad:
0x0: {  	(pc) =	sbr.rel $0x88, $3  }
0x1: {  	(tag) =	ssettag $0x0;
	lr =	simm.s32 $0x1  }
0x2: {  	[smem:$0x3F9F] =	sst lr;
	_ =	strace $0xD0000000  }
0x3: {  	_ = 	snop  }
0x4: {  	_ = 	snop  }
0x5: {  	_ = 	snop  }
0x6: {  	_ = 	snop  }
0x7: {  	_ = 	snop  }
__scs_overlays_trampoline_lowered:
0x8: {  	[smem:$0x3FAE] =	sst s0  }
0x9: {  	[smem:$0x3FAF] =	sst s1  }
0xa: {  	[smem:$0x3FB0] =	sst s2  }
0xb: {  	[smem:$0x3FB1] =	sst s3  }
0xc: {  	[smem:$0x3FB2] =	sst s4  }
0xd: {  	[smem:$0x3FB3] =	sst s5  }
0xe: {  	[smem:$0x3FB4] =	sst s6  }
0xf: {  	[smem:$0x3FB5] =	sst s7  }
0x10: {  	[smem:$0x3FB6] =	sst s8  }
0x11: {  	[smem:$0x3FB7] =	sst s9;
	s0 =	simm.s32 @!p0 $0x0  }
0x12: {  	s1 =	sld [smem:$0x3F9D];
	s0 =	simm.s32 @p0 $0x1  }
0x13: {  	[smem:$0x3FB8] =	sst s0;
	s0 =	simm.s32 @!p1 $0x0  }
0x14: {  	s2 =	sld [smem:$0x3F9C];
	s0 =	simm.s32 @p1 $0x1  }
0x15: {  	[smem:$0x3FB9] =	sst s0;
	s0 =	simm.s32 @!p2 $0x0  }
0x16: {  	s3 =	sld [smem:$0x3FDB];
	s0 =	simm.s32 @p2 $0x1  }
0x17: {  	s4 =	simm.s32 $0x1BF5;
	[smem:$0x3FBB] =	sst s0  }
0x18: {  	s0 =	sld [smem:$0x3F9E];
	_ =	swait.ge [sflag:s4], $0x0  }
0x19: {  	s7 =	sld [smem:$0x3F9F]  }
0x1a: {  	s8 =	sadd.s32 $0xFFFFE003, lr  }
0x1b: {  	s9 =	sadd.s32 $0xFFFFFEF7, lr;
	s5 =	simm.s32 $0xFFFFFFFF;
	p2 =	slt.u32 s8, $0xFFFFF086  }
0x1c: {  	p1 =	slt.u32 s9, $0xF7A;
	s5 =	simm.s32 @!p2 $0x0  }
0x1d: {  	s5 =	simm.s32 @p1 $0x1;
	p0 =	seq.s32 s7, s2  }
0x1e: {  	s7 =	smul.u32 @!p0 $0xF7A, s2;
	p2 =	seq.s32 @!p0 s5, $0x0  }
0x1f: {  	s9 =	smul.u32 $0xF7A, s1;
	s8 =	simm.s32 @!p0 $0x1BF5;
	p2 =	por !p2, p0  }
0x20: {  	[sflag:s8] =	ssyncset.s32 @!p0 $0xFFFFF086;
	s6 =	sadd.s32 @!p0 s3, s7;
	s7 =	simm.s32 @!p0 $0x108  }
0x21: {  	s3 =	sadd.s32 s3, s9;
	s6 =	sadd.s32 @!p0 $0x88, s6;
	s7 =	simm.s32 @p2 $0x1082  }
0x22: {  	[simem:s7], [sflag:s8] =	dma.local @!p0 [hbm:s6], $0xF7A  }
0x23: {  	s9 =	sor.u32 $0xD0000000, s2;
	s6 =	simm.s32 $0x108;
	_ =	swait.ge @!p0 [sflag:s8], $0x0  }
0x24: {  	s3 =	sadd.s32 $0x88, s3;
	s6 =	simm.s32 @!p1 $0x1082;
	[sflag:s4] =	ssyncset.s32 $0xFFFFF086  }
0x25: {  	[simem:s6], [sflag:s4] =	dma.local [hbm:s3], $0xF7A  }
0x26: {  	[smem:$0x3F9F] =	sst s1;
	(tag) =	ssettag s2;
	_ =	strace s9  }
0x27: {  	s1 =	sld [smem:$0x3FAF]  }
0x28: {  	s2 =	sld [smem:$0x3FB0]  }
0x29: {  	s4 =	sld [smem:$0x3FB2]  }
0x2a: {  	p0 =	seq.s32 s5, $0x0;
	s5 =	sld [smem:$0x3FB3]  }
0x2b: {  	s6 =	sld [smem:$0x3FB4]  }
0x2c: {  	s7 =	sld [smem:$0x3FB5]  }
0x2d: {  	s3 =	simm.s32 $0x108;
	s8 =	sld [smem:$0x3FB6]  }
0x2e: {  	s3 =	simm.s32 @!p0 $0x1082;
	s9 =	sld [smem:$0x3FB7]  }
0x2f: {  	lr =	sadd.s32 s0, s3;
	s0 =	sld [smem:$0x3FAE]  }
0x30: {  	s3 =	sld [smem:$0x3FB1]  }
0x31: {  	[smem:$0x3FBA] =	sst s10  }
0x32: {  	s10 =	sld [smem:$0x3FB8];
	_ =	sdelay $0x3  }
0x33: {  	p0 =	seq.s32 s10, $0x1;
	s10 =	sld [smem:$0x3FBA];
	_ =	sdelay $0x3  }
0x34: {  	[smem:$0x3FBA] =	sst s10  }
0x35: {  	s10 =	sld [smem:$0x3FB9];
	_ =	sdelay $0x3  }
0x36: {  	p1 =	seq.s32 s10, $0x1;
	s10 =	sld [smem:$0x3FBA];
	_ =	sdelay $0x3  }
0x37: {  	[smem:$0x3FBA] =	sst s10  }
0x38: {  	s10 =	sld [smem:$0x3FBB]  }
0x39: {  	_ = 	snop;
	(pc) =	sbr.ind lr, $3  }
0x3a: {  	_ = 	snop  }
0x3b: {  	_ = 	snop  }
0x3c: {  	p2 =	seq.s32 s10, $0x1;
	s10 =	sld [smem:$0x3FBA]  }
0x3d: {  	_ =	shalt  }
0x3e: {  	_ =	shalt  }
0x3f: {  	_ =	shalt  }
0x40: {  	_ =	shalt  }
0x41: {  	_ =	shalt  }
0x42: {  	_ =	shalt  }
0x43: {  	_ =	shalt  }
0x44: {  	_ =	shalt  }
0x45: {  	_ =	shalt  }
0x46: {  	_ =	shalt  }
0x47: {  	_ =	shalt  }
0x48: {  	_ =	shalt  }
0x49: {  	_ =	shalt  }
0x4a: {  	_ =	shalt  }
0x4b: {  	_ =	shalt  }
0x4c: {  	_ =	shalt  }
0x4d: {  	_ =	shalt  }
0x4e: {  	_ =	shalt  }
0x4f: {  	_ =	shalt  }
0x50: {  	_ =	shalt  }
0x51: {  	_ =	shalt  }
0x52: {  	_ =	shalt  }
0x53: {  	_ =	shalt  }
0x54: {  	_ =	shalt  }
0x55: {  	_ =	shalt  }
0x56: {  	_ =	shalt  }
0x57: {  	_ =	shalt  }
0x58: {  	_ =	shalt  }
0x59: {  	_ =	shalt  }
0x5a: {  	_ =	shalt  }
0x5b: {  	_ =	shalt  }
0x5c: {  	_ =	shalt  }
0x5d: {  	_ =	shalt  }
0x5e: {  	_ =	shalt  }
0x5f: {  	_ =	shalt  }
0x60: {  	_ =	shalt  }
0x61: {  	_ =	shalt  }
0x62: {  	_ =	shalt  }
0x63: {  	_ =	shalt  }
0x64: {  	_ =	shalt  }
0x65: {  	_ =	shalt  }
0x66: {  	_ =	shalt  }
0x67: {  	_ =	shalt  }
0x68: {  	_ =	shalt  }
0x69: {  	_ =	shalt  }
0x6a: {  	_ =	shalt  }
0x6b: {  	_ =	shalt  }
0x6c: {  	_ =	shalt  }
0x6d: {  	_ =	shalt  }
0x6e: {  	_ =	shalt  }
0x6f: {  	_ =	shalt  }
0x70: {  	_ =	shalt  }
0x71: {  	_ =	shalt  }
0x72: {  	_ =	shalt  }
0x73: {  	_ =	shalt  }
0x74: {  	_ =	shalt  }
0x75: {  	_ =	shalt  }
0x76: {  	_ =	shalt  }
0x77: {  	_ =	shalt  }
0x78: {  	_ =	shalt  }
0x79: {  	_ =	shalt  }
0x7a: {  	_ =	shalt  }
0x7b: {  	_ =	shalt  }
0x7c: {  	_ =	shalt  }
0x7d: {  	_ =	shalt  }
0x7e: {  	_ =	shalt  }
0x7f: {  	_ =	shalt  }
0x80: {  	_ =	shalt  }
0x81: {  	_ =	shalt  }
0x82: {  	_ =	shalt  }
0x83: {  	_ =	shalt  }
0x84: {  	_ =	shalt  }
0x85: {  	_ =	shalt  }
0x86: {  	_ =	shalt  }
0x87: {  	_ =	shalt  }
.Lfunc_end0:
.L_simem_size_0:
called_computation_lowered:
.L_overlay_start_0:
0x88: {  	s2 =	sld [smem:$0x3FD9]  }
0x89: {  	s3 =	sld [smem:$0x3FFE];
	_ =	sdelay $0x1  }
0x8a: {  	s1 =	srdreg.scid  }
0x8b: {  	s0 =	sand.u32 $0x1, s1  }
0x8c: {  	s14 =	sshll.u32 s0, $0xA;
	s2 =	sadd.s32 s3, s2  }
0x8d: {  	s2 =	sadd.s32 s2, s14  }
0x8e: {  	[smem:$0x3FC6] =	sst s2  }
0x8f: {  	_ = 	snop  }
0x90: {  	s2 =	sld [smem:$0x3FD0];
	_ =	sdelay $0x1  }
0x91: {  	s15 =	sld [smem:$0x3FC9]  }
0x92: {  	s5 =	simm.s32 $0xA;
	s6 =	simm.s32 $0x10;
	s4 =	sld [smem:$0x3FC8]  }
0x93: {  	[smem:s6], [sflag:s5] =	dma.local [hbm:s2], $0x1  }
0x94: {  	_ =	swait.eq [sflag:s5], $0x1  }
0x95: {  	[sflag:s5] =	ssyncset.done $0x0  }
0x96: {  	s16 =	sld [smem:$0x10];
	[sflag:s5] =	ssyncadd.s32 $0xFFFFFFFF  }
0x97: {  	s17 =	sld [smem:$0x11];
	(tm) =	ssettm $0x1  }
0x98: {  	s18 =	sld [smem:$0x3FFB];
	_ =	sdelay $0x3  }
0x99: {  	_ =	strace s18  }
0x9a: {  	s6 =	sld [smem:$0x3FFC];
	_ =	sdelay $0x3  }
0x9b: {  	_ =	strace s6  }
0x9c: {  	s6 =	sld [smem:$0x3FFD];
	_ =	sdelay $0x3  }
0x9d: {  	_ =	strace s6  }
0x9e: {  	_ =	strace $0x8FFFFFFF  }
0x9f: {  	s19 =	sld [smem:$0x3FDB];
	_ =	sdelay $0x1  }
0xa0: {  	s7 =	simm.s32 $_scs_section_size  }
0xa1: {  	s8 =	simm.s32 $_size__tile_overlayer_lowered;
	s9 =	simm.s32 $_tile_overlayer_lowered  }
0xa2: {  	s22 =	simm.s32 $0x1BFF;
	s21 =	sshll.u32 s9, $0x1;
	s6 =	sadd.s32 s7, s19  }
0xa3: {  	s10 =	simm.s32 $0x0;
	s20 =	sshll.u32 s8, $0x1;
	s8 =	sadd.s32 s21, s6  }
0xa4: {  	[timem:s10], [sflag:s22] =	dma.local [hbm:s8], s20  }
0xa5: {  	_ =	swait.ge [sflag:s22], s20  }
0xa6: {  	s7 =	ssub.s32 $0x0, s20;
	[sflag:s22] =	ssyncset.done $0x0  }
0xa7: {  	[sflag:s22] =	ssyncadd.s32 s7;
	_ =	sdelay $0x1  }
0xa8: {  	s23 =	simm.s32 $0x1B8B  }
0xa9: {  	_ =	swait.ge [sflag:s23], $0x1  }
0xaa: {  	[sflag:s23] =	ssyncset.done $0x0  }
0xab: {  	s25 =	simm.s32 $0x1B8E;
	s24 =	sld [smem:$0x3FFE];
	[sflag:s23] =	ssyncadd.s32 $0xFFFFFFFF  }
0xac: {  	s26 =	simm.s32 $execute0_lowered;
	[smem:$0x3FD2] =	sst s25  }
0xad: {  	s8 =	sshll.u32 s26, $0x1;
	_ =	strace $0x80000046;
	[dreg:$0x1] =	wrdreg $0xFFFFFFFF  }
0xae: {  	s28 =	simm.s32 $_size_execute0_lowered;
	s6 =	sadd.s32 s6, s8;
	[dreg:$0x0] =	wrdreg $0x0  }
0xaf: {  	s8 =	sshll.u32 s28, $0x1;
	[dreg:$0x2] =	wrdreg s6  }
0xb0: {  	[dreg:$0x3] =	wrdreg s8  }
0xb1: {  	[dreg:$0x4] =	wrdreg $0xC0  }
0xb2: {  	_ =	task [dreg:s10], $0x5FFFF  }
0xb3: {  	[dreg:$0x1] =	wrdreg $0xFFFFFFFF  }
0xb4: {  	[dreg:$0x0] =	wrdreg $0x60  }
0xb5: {  	[dreg:$0x2] =	wrdreg s24  }
0xb6: {  	[dreg:$0x3] =	wrdreg s15  }
0xb7: {  	[dreg:$0x4] =	wrdreg s4  }
0xb8: {  	[dreg:$0x5] =	wrdreg s16  }
0xb9: {  	[dreg:$0x6] =	wrdreg s17  }
0xba: {  	[dreg:$0x7] =	wrdreg $0x9  }
0xbb: {  	_ =	task.clear_ibuf [dreg:s10], $0x8FFFF;
	_ =	strace $0x90000046  }
0xbc: {  	s29 =	simm.s32 $0x9;
	_ =	strace $0x80000048  }
0xbd: {  	_ =	swait.ge [sflag:s29], $0x1  }
0xbe: {  	[sflag:s29] =	ssyncadd.s32 $0xFFFFFFFF  }
0xbf: {  	_ =	strace $0x90000048  }
0xc0: {  	_ =	sfence  }
0xc1: {  	s30 =	sld [smem:$0x0];
	_ =	sdelay $0x2  }
0xc2: {  	s31 =	sshll.u32 s1, $0xD;
	s1 =	sshrl.u32 s1, $0x2  }
0xc3: {  	s3 =	sand.u32 $0x4000, s31;
	s1 =	sadd.s32 s1, s30  }
0xc4: {  	s0 =	sor.u32 s3, s0;
	s1 =	sshll.u32 s1, $0x11  }
0xc5: {  	s0 =	sor.u32 s1, s0  }
0xc6: {  	s0 =	sadd.s32 $0x8F2B, s0  }
0xc7: {  	[sflag:s0] =	ssyncadd.remote.s32 $0x1  }
0xc8: {  	_ =	sfence.sel $0xFFFF  }
0xc9: {  	[dreg:$0x0] =	wrdreg $0xFFFFFFFF;
	(pc) =	sbr.abs _section_cstart, $3  }
0xca: {  	[dreg:$0x1] =	wrdreg $0xFFFFFFFF  }
0xcb: {  	_ =	task.clear_ibuf [dreg:s10], $0x2FFFF;
	_ =	strace $0x9FFFFFFF  }
0xcc: {  	(tm) =	ssettm $0x7FFFFFFF  }
0xcd: {  	_ =	shalt  }
tec
execute0_lowered:
.L_overlay_start_1:
0x0: {  	(tag) =	ssettag $0x1  }
0x1: {  	s0 =	rddreg [dreg:$0x0]  }
0x2: {  	s1 =	rddreg [dreg:$0x1]  }
0x3: {  	s2 =	rddreg [dreg:$0x2]  }
0x4: {  	s4 =	rddreg [dreg:$0x3]  }
0x5: {  	s5 =	rddreg [dreg:$0x4]  }
0x6: {  	s3 =	simm.s32 $0x0;
	s6 =	srdreg.scid;
	s10 =	stileid.u32  }
0x7: {  	s16 =	simm.s32 $0x10000;
	s17 =	simm.s32 $0x5;
	s18 =	simm.s32 $0x10180  }
0x8: {  	s20 =	simm.s32 $0x4000;
	s21 =	simm.s32 $0xC000;
	s22 =	simm.s32 $0x1  }
0x9: {  	s23 =	simm.s32 $0x2;
	s24 =	simm.s32 $0x3;
	s28 =	simm.s32 $0x400  }
0xa: {  	s29 =	simm.s32 $0x0;
	[smem:$0x7FF] =	sst s3;
	s7 =	sand.u32 $0x1, s6  }
0xb: {  	s25 =	sadd.s32 $0x600, s0;
	s6 =	sadd.s32 $0x800, s0;
	s9 =	sshll.u32 s10, $0x1  }
0xc: {  	s30 =	sshrl.u32 s10, $0x2;
	_ =	strace $0x80000047;
	[dreg:$0x6] =	wrdreg s25  }
0xd: {  	s8 =	ssub.s32 $0x2, s7;
	s7 =	sor.u32 s7, s9;
	s10 =	smul.u32 $0xC00, s30  }
0xe: {  	s25 =	simm.s32 $0x4;
	s26 =	sshrl.u32 s8, $0x1;
	s9 =	sshll.u32 s7, $0x10  }
0xf: {  	s31 =	sshll.u32 s7, $0x7;
	s12 =	sshll.u32 s7, $0x13;
	s0 =	ssub.s32 s8, s26  }
.Ltmp0:
0x10: {  	s7 =	sadd.s32 s1, s9;
	s11 =	sand.u32 $0x380, s31;
	(pc) =	sbr.rel .LBB2_1-.Ltmp0, $4  }
0x11: {  	s8 =	sadd.s32 s2, s9;
	s13 =	sor.u32 $0x800, s9;
	s26 =	simm.s32 $0x80  }
0x12: {  	s11 =	sor.u32 s10, s11;
	s9 =	sadd.s32 s1, s13;
	s10 =	sadd.s32 s2, s13  }
0x13: {  	v63 =	vlaneseq.u32;
	s15 =	smax.u32 s0, $0x1;
	s14 =	sshrl.u32 s11, $0x3;
	s11 =	sor.u32 $0x8000, s12  }
0x14: {  	v1 =	vor.u32 $0xA0, v63;
	s12 =	sor.u32 $0xC000, s12;
	s13 =	sadd.s32 s4, s14;
	s14 =	sadd.s32 s5, s14  }
.LBB2_8:
0x15: {  	[hbm4b:s13+s26] =	stream.strided.scatter [tilespmem:s16], [sflag:$0x5], $0x180, s28, s26, $0x38;
	[tilespmem:$0x10300] =	vst v63  }
0x16: {  	s29 =	sadd.s32 $0x1, s29;
	_ =	swait.ge [sflag:s17], $0x180  }
0x17: {  	p0 =	sne.s32 s29, s15;
	[sflag:s17] =	ssyncset.done $0x0  }
.Ltmp1:
0x18: {  	[sflag:s17] =	ssyncadd.s32 $0xFFFFFE80;
	(pc) =	sbr.rel @!p0 .LBB2_9-.Ltmp1, $4  }
0x19: {  	[hbm4b:s14+s26] =	stream.strided.scatter [tilespmem:s18], [sflag:$0x5], $0x180, s28, s26, $0x38;
	[tilespmem:$0x10300] =	vst v63  }
0x1a: {  	_ =	swait.ge [sflag:s17], $0x180  }
0x1b: {  	[sflag:s17] =	ssyncset.done $0x0  }
0x1c: {  	[sflag:s17] =	ssyncadd.s32 $0xFFFFFE80  }
.LBB2_1:
0x1d: {  	s0 =	rddreg [dreg:$0x6]  }
0x1e: {  	[tilespmem:s16], [sflag:$0x5] =	stream.linear.gather [hbm4b:s0+s3], $0x180, $0x38;
	[tilespmem:$0x10300] =	vst v63  }
0x1f: {  	_ =	swait.ge [sflag:s17], $0x180  }
0x20: {  	[sflag:s17] =	ssyncset.done $0x0  }
0x21: {  	[sflag:s17] =	ssyncadd.s32 $0xFFFFFE80  }
0x22: {  	[tilespmem:s18], [sflag:$0x5] =	stream.linear.gather [hbm4b:s6+s3], $0x180, $0x38;
	[tilespmem:$0x10300] =	vst v63  }
0x23: {  	_ =	swait.ge [sflag:s17], $0x180  }
0x24: {  	[sflag:s17] =	ssyncset.done $0x0  }
0x25: {  	[sflag:s17] =	ssyncadd.s32 $0xFFFFFE80  }
0x26: {  	[tilespmem:s3], [sflag:$0x1] =	stream.linear.gather [hbm4b:s7+s3], $0x4000, $0x38;
	[tilespmem:$0x10300] =	vst v63  }
0x27: {  	s31 =	simm.s32 $0x8000  }
0x28: {  	[tilespmem:s31], [sflag:$0x2] =	stream.linear.gather [hbm4b:s8+s3], $0x4000, $0x38;
	[tilespmem:$0x10300] =	vst v63  }
0x29: {  	_ = 	snop  }
0x2a: {  	[tilespmem:s20], [sflag:$0x3] =	stream.linear.gather [hbm4b:s9+s3], $0x4000, $0x38;
	[tilespmem:$0x10300] =	vst v63  }
0x2b: {  	s30 =	simm.s32 $0x0  }
0x2c: {  	[tilespmem:s21], [sflag:$0x4] =	stream.linear.gather [hbm4b:s10+s3], $0x4000, $0x38;
	[tilespmem:$0x10300] =	vst v63  }
.LBB2_2:
0x2d: {  	_ =	swait.ge [sflag:s22], $0x4000  }
0x2e: {  	[sflag:s22] =	ssyncset.done $0x0  }
0x2f: {  	[sflag:s22] =	ssyncadd.s32 $0xFFFFC000  }
0x30: {  	_ =	swait.ge [sflag:s23], $0x4000  }
0x31: {  	[sflag:s23] =	ssyncset.done $0x0  }
0x32: {  	s0 =	simm.s32 $0x80;
	[sflag:s23] =	ssyncadd.s32 $0xFFFFC000  }
0x33: {  	v2 =	vld [tilespmem:s0+$0x60];
	_ =	sdelay $0x3  }
0x34: {  	v3 =	vld [tilespmem:s0+$0xFFFFFFA0]  }
0x35: {  	v4 =	vld [tilespmem:s0+$0xFFFFFFC0];
	v2 =	vsub.f32 $0.0e+00, v2  }
0x36: {  	v5 =	vld [tilespmem:s0+$0xFFFFFFE0]  }
0x37: {  	v7 =	vld [tilespmem:s0+$0x0];
	v2 =	vmul.f32 $1.442695020e+00, v2  }
0x38: {  	v6 =	vld [tilespmem:s0+$0xFFFFFF80]  }
0x39: {  	v3 =	vsub.f32 $0.0e+00, v3;
	(erf) = vpow2.f32 v2  }
0x3a: {  	v4 =	vsub.f32 $0.0e+00, v4;
	v2 =	vld [tilespmem:s0+$0x20]  }
0x3b: {  	v8 =	vld [tilespmem:s0+$0x40];
	v5 =	vsub.f32 $0.0e+00, v5;
	v3 =	vmul.f32 $1.442695020e+00, v3  }
0x3c: {  	v7 =	vsub.f32 $0.0e+00, v7;
	v4 =	vmul.f32 $1.442695020e+00, v4  }
0x3d: {  	v6 =	vsub.f32 $0.0e+00, v6;
	v5 =	vmul.f32 $1.442695020e+00, v5;
	(erf) = vpow2.f32 v3  }
0x3e: {  	(erf) = vpow2.f32 v4;
	v4 =	vmul.f32 $1.442695020e+00, v7  }
0x3f: {  	v3 =	vmul.f32 $1.442695020e+00, v6;
	v2 =	vsub.f32 $0.0e+00, v2  }
0x40: {  	v6 =	vsub.f32 $0.0e+00, v8;
	(erf) = vpow2.f32 v5  }
0x41: {  	(erf) = vpow2.f32 v3;
	v2 =	vmul.f32 $1.442695020e+00, v2  }
0x42: {  	v3 =	vmul.f32 $1.442695020e+00, v6;
	(erf) = vpow2.f32 v4;
	v4 =	vpop (erf)  }
0x43: {  	(erf) = vpow2.f32 v2;
	v2 =	vadd.f32 $1.000000000e+00, v4  }
0x44: {  	(erf) = vpow2.f32 v3  }
0x45: {  	(erf) = vrcp.f32 v2;
	_ =	sdelay $0x1  }
0x46: {  	v2 =	vpop (erf)  }
0x47: {  	v3 =	vpop (erf)  }
0x48: {  	v4 =	vpop (erf)  }
0x49: {  	v5 =	vpop (erf)  }
0x4a: {  	v6 =	vpop (erf)  }
0x4b: {  	v7 =	vpop (erf)  }
0x4c: {  	v2 =	vadd.f32 $1.000000000e+00, v2;
	v8 =	vpop (erf)  }
0x4d: {  	v3 =	vadd.f32 $1.000000000e+00, v3;
	v9 =	vpop (erf)  }
0x4e: {  	(erf) = vrcp.f32 v2;
	v2 =	vadd.f32 $1.000000000e+00, v4;
	v4 =	vmul.f32 $1.600000000e+02, v9  }
0x4f: {  	(erf) = vrcp.f32 v3;
	v3 =	vadd.f32 $1.000000000e+00, v5  }
0x50: {  	(erf) = vrcp.f32 v2;
	v2 =	vtrunc.f32 v4  }
0x51: {  	s31 =	simm.s32 $0x8080;
	(erf) = vrcp.f32 v3;
	v2 =	vcvt.f32.s32 v2  }
0x52: {  	v3 =	vld [tilespmem:s31+$0x60]  }
0x53: {  	v2 =	vand.u32 $0xFFFFFFF0, v2  }
0x54: {  	v2 =	vor.u32 v63, v2;
	_ =	sdelay $0x2  }
0x55: {  	v3 =	vadd.s32 $0x10000, v3;
	v5 =	vpop (erf)  }
0x56: {  	v9 =	vpop (erf)  }
0x57: {  	v10 =	vpop (erf);
	[tilespmem:v2+s16+$0x0] =	vst.idx.add.s32.msk $0xffff, v3  }
0x58: {  	v3 =	vpop (erf);
	[tilespmem:v2+s18+$0x0] =	vst.idx.add.f32.msk $0xffff, v4  }
0x59: {  	v2 =	vmul.f32 $1.600000000e+02, v3;
	v3 =	vld [tilespmem:s0+$0x70];
	_ =	sdelay $0x2  }
0x5a: {  	v4 =	vtrunc.f32 v2  }
0x5b: {  	v6 =	vadd.f32 $1.000000000e+00, v6;
	v4 =	vcvt.f32.s32 v4  }
0x5c: {  	v7 =	vadd.f32 $1.000000000e+00, v7;
	v3 =	vsub.f32 $0.0e+00, v3  }
0x5d: {  	s4 =	simm.s32 $0x180;
	v11 =	vld [tilespmem:s31+$0xFFFFFF80];
	v8 =	vadd.f32 $1.000000000e+00, v8;
	(erf) = vrcp.f32 v6;
	v4 =	vand.u32 $0xFFFFFFF0, v4  }
0x5e: {  	v19 =	vld [tilespmem:s4+$0xFFFFFFA0];
	(erf) = vrcp.f32 v7;
	v4 =	vor.u32 v63, v4;
	v3 =	vmul.f32 $1.442695020e+00, v3  }
0x5f: {  	(erf) = vrcp.f32 v8  }
0x60: {  	v21 =	vld [tilespmem:s4+$0xFFFFFFC0];
	(erf) = vpow2.f32 v3  }
0x61: {  	v6 =	vld [tilespmem:s4+$0x60]  }
0x62: {  	v3 =	vadd.s32 $0x10000, v11  }
0x63: {  	v19 =	vsub.f32 $0.0e+00, v19;
	[tilespmem:v4+s16+$0x0] =	vst.idx.add.s32.msk $0xffff, v3  }
0x64: {  	[tilespmem:v4+s18+$0x0] =	vst.idx.add.f32.msk $0xffff, v2  }
0x65: {  	v21 =	vsub.f32 $0.0e+00, v21;
	v19 =	vmul.f32 $1.442695020e+00, v19;
	v2 =	vld [tilespmem:s0+$0xFFFFFF90]  }
0x66: {  	v6 =	vsub.f32 $0.0e+00, v6;
	v7 =	vmul.f32 $1.600000000e+02, v10;
	v4 =	vmul.f32 $1.600000000e+02, v9;
	v9 =	vpop (erf)  }
0x67: {  	v22 =	vld [tilespmem:s4+$0xFFFFFF80];
	v21 =	vmul.f32 $1.442695020e+00, v21;
	v3 =	vmul.f32 $1.600000000e+02, v5;
	v12 =	vpop (erf)  }
0x68: {  	v6 =	vmul.f32 $1.442695020e+00, v6;
	v13 =	vtrunc.f32 v7;
	v15 =	vpop (erf)  }
0x69: {  	v13 =	vcvt.f32.s32 v13;
	v5 =	vtrunc.f32 v3;
	v18 =	vpop (erf)  }
0x6a: {  	v14 =	vld [tilespmem:s31+$0xFFFFFFE0];
	v9 =	vmul.f32 $1.600000000e+02, v9;
	v2 =	vsub.f32 $0.0e+00, v2;
	v18 =	vadd.f32 $1.000000000e+00, v18  }
0x6b: {  	v8 =	vld [tilespmem:s31+$0xFFFFFFA0];
	v5 =	vcvt.f32.s32 v5;
	v10 =	vtrunc.f32 v4  }
0x6c: {  	v22 =	vsub.f32 $0.0e+00, v22;
	v2 =	vmul.f32 $1.442695020e+00, v2;
	(erf) = vrcp.f32 v18;
	v18 =	vld [tilespmem:s4+$0xFFFFFFE0]  }
0x6d: {  	v11 =	vld [tilespmem:s31+$0xFFFFFFC0];
	v12 =	vmul.f32 $1.600000000e+02, v12;
	v10 =	vcvt.f32.s32 v10;
	v5 =	vand.u32 $0xFFFFFFF0, v5  }
0x6e: {  	v23 =	vld [tilespmem:s4+$0x0];
	v17 =	vtrunc.f32 v9;
	v5 =	vor.u32 v63, v5;
	(erf) = vpow2.f32 v2  }
0x6f: {  	v10 =	vand.u32 $0xFFFFFFF0, v10;
	(erf) = vpow2.f32 v6;
	v6 =	vcvt.f32.s32 v17;
	v17 =	vld [tilespmem:s4+$0x20]  }
0x70: {  	v16 =	vld [tilespmem:s31+$0x0];
	v8 =	vadd.s32 $0x10000, v8;
	v13 =	vand.u32 $0xFFFFFFF0, v13;
	v2 =	vor.u32 v63, v10  }
0x71: {  	v24 =	vld [tilespmem:s4+$0x40];
	v13 =	vor.u32 v63, v13;
	v20 =	vtrunc.f32 v12;
	v18 =	vsub.f32 $0.0e+00, v18  }
0x72: {  	v25 =	vld [tilespmem:s31+$0x20];
	v15 =	vmul.f32 $1.600000000e+02, v15;
	v11 =	vadd.s32 $0x10000, v11;
	v20 =	vcvt.f32.s32 v20  }
0x73: {  	[tilespmem:v5+s16+$0x0] =	vst.idx.add.s32.msk $0xffff, v8;
	v8 =	vsub.f32 $0.0e+00, v23;
	(erf) = vpow2.f32 v19;
	v18 =	vmul.f32 $1.442695020e+00, v18  }
0x74: {  	[tilespmem:v5+s18+$0x0] =	vst.idx.add.f32.msk $0xffff, v3;
	v5 =	vmul.f32 $1.442695020e+00, v22;
	(erf) = vpow2.f32 v21;
	v3 =	vsub.f32 $0.0e+00, v17  }
0x75: {  	v14 =	vadd.s32 $0x10000, v14;
	v8 =	vmul.f32 $1.442695020e+00, v8;
	[tilespmem:v2+s16+$0x0] =	vst.idx.add.s32.msk $0xffff, v11;
	(erf) = vpow2.f32 v18  }
0x76: {  	v17 =	vsub.f32 $0.0e+00, v24;
	[tilespmem:v2+s18+$0x0] =	vst.idx.add.f32.msk $0xffff, v4;
	v11 =	vpop (erf);
	v2 =	vmul.f32 $1.442695020e+00, v3;
	(erf) = vpow2.f32 v5  }
0x77: {  	[tilespmem:v13+s16+$0x0] =	vst.idx.add.s32.msk $0xffff, v14;
	v10 =	vtrunc.f32 v15;
	v3 =	vand.u32 $0xFFFFFFF0, v6;
	v4 =	vpop (erf);
	(erf) = vpow2.f32 v8  }
0x78: {  	v5 =	vmul.f32 $1.442695020e+00, v17;
	v3 =	vor.u32 v63, v3;
	v6 =	vpop (erf);
	v8 =	vld [tilespmem:s0+$0xFFFFFFB0];
	(erf) = vpow2.f32 v2  }
0x79: {  	[tilespmem:v13+s18+$0x0] =	vst.idx.add.f32.msk $0xffff, v7;
	v2 =	vadd.f32 $1.000000000e+00, v6;
	v6 =	vcvt.f32.s32 v10;
	v10 =	vand.u32 $0xFFFFFFF0, v20  }
0x7a: {  	v7 =	vld [tilespmem:s0+$0xFFFFFFD0];
	(erf) = vpow2.f32 v5;
	v5 =	vor.u32 v63, v10  }
0x7b: {  	(erf) = vrcp.f32 v2;
	v2 =	vand.u32 $0xFFFFFFF0, v6;
	v6 =	vld [tilespmem:s0+$0xFFFFFFF0]  }
0x7c: {  	v26 =	vld [tilespmem:s31+$0x40];
	v10 =	vadd.s32 $0x10000, v16  }
0x7d: {  	v13 =	vpop (erf);
	[tilespmem:v3+s16+$0x0] =	vst.idx.add.s32.msk $0xffff, v10;
	v8 =	vsub.f32 $0.0e+00, v8  }
0x7e: {  	v14 =	vadd.s32 $0x10000, v25;
	v2 =	vor.u32 v63, v2;
	[tilespmem:v3+s18+$0x0] =	vst.idx.add.f32.msk $0xffff, v9;
	v3 =	vadd.f32 $1.000000000e+00, v13  }
0x7f: {  	v7 =	vsub.f32 $0.0e+00, v7;
	v10 =	vpop (erf);
	[tilespmem:v5+s16+$0x0] =	vst.idx.add.s32.msk $0xffff, v14;
	v8 =	vmul.f32 $1.442695020e+00, v8  }
0x80: {  	v9 =	vpop (erf);
	[tilespmem:v5+s18+$0x0] =	vst.idx.add.f32.msk $0xffff, v12;
	v5 =	vsub.f32 $0.0e+00, v6  }
0x81: {  	v7 =	vmul.f32 $1.442695020e+00, v7;
	v14 =	vpop (erf)  }
0x82: {  	v13 =	vadd.s32 $0x10000, v26;
	(erf) = vrcp.f32 v3;
	v6 =	vadd.f32 $1.000000000e+00, v10;
	v3 =	vpop (erf)  }
0x83: {  	[tilespmem:v2+s16+$0x0] =	vst.idx.add.s32.msk $0xffff, v13;
	(erf) = vpow2.f32 v8;
	v8 =	vpop (erf)  }
0x84: {  	[tilespmem:v2+s18+$0x0] =	vst.idx.add.f32.msk $0xffff, v15;
	v2 =	vmul.f32 $1.442695020e+00, v5;
	(erf) = vrcp.f32 v6;
	v5 =	vpop (erf)  }
0x85: {  	v10 =	vadd.f32 $1.000000000e+00, v9;
	v6 =	vld [tilespmem:s0+$0x10];
	(erf) = vpow2.f32 v7;
	v7 =	vpop (erf)  }
0x86: {  	v13 =	vadd.f32 $1.000000000e+00, v14;
	(erf) = vpow2.f32 v2;
	v2 =	vmul.f32 $1.600000000e+02, v7  }
0x87: {  	v12 =	vld [tilespmem:s0+$0x30];
	(erf) = vrcp.f32 v10  }
0x88: {  	(erf) = vrcp.f32 v13;
	v10 =	vtrunc.f32 v2  }
0x89: {  	s19 =	simm.s32 $0x8180;
	v9 =	vmul.f32 $1.600000000e+02, v11;
	v7 =	vld [tilespmem:s0+$0x50];
	v10 =	vcvt.f32.s32 v10  }
0x8a: {  	v28 =	vld [tilespmem:s19+$0xFFFFFFC0];
	v8 =	vadd.f32 $1.000000000e+00, v8;
	v6 =	vsub.f32 $0.0e+00, v6  }
0x8b: {  	v17 =	vld [tilespmem:s19+$0x60];
	v11 =	vtrunc.f32 v9;
	v3 =	vadd.f32 $1.000000000e+00, v3;
	v16 =	vpop (erf);
	v10 =	vand.u32 $0xFFFFFFF0, v10  }
0x8c: {  	v25 =	vld [tilespmem:s19+$0xFFFFFFA0];
	v12 =	vsub.f32 $0.0e+00, v12;
	v6 =	vmul.f32 $1.442695020e+00, v6;
	v20 =	vpop (erf);
	v10 =	vor.u32 v63, v10  }
0x8d: {  	v30 =	vld [tilespmem:s19+$0xFFFFFFE0];
	v11 =	vcvt.f32.s32 v11;
	v5 =	vadd.f32 $1.000000000e+00, v5;
	(erf) = vrcp.f32 v3;
	v21 =	vpop (erf)  }
0x8e: {  	v33 =	vld [tilespmem:s19+$0x0];
	v12 =	vmul.f32 $1.442695020e+00, v12;
	(erf) = vrcp.f32 v8;
	v18 =	vsub.f32 $0.0e+00, v7;
	v8 =	vpop (erf)  }
0x8f: {  	v24 =	vld [tilespmem:s19+$0xFFFFFF80];
	v16 =	vmul.f32 $1.600000000e+02, v16;
	(erf) = vrcp.f32 v5;
	v22 =	vpop (erf)  }
0x90: {  	v17 =	vadd.s32 $0x10000, v17;
	v14 =	vld [tilespmem:s31+$0xFFFFFF90];
	v18 =	vmul.f32 $1.442695020e+00, v18;
	(erf) = vpow2.f32 v6;
	v6 =	vpop (erf)  }
0x91: {  	v25 =	vadd.s32 $0x10000, v25;
	(erf) = vpow2.f32 v12;
	v12 =	vmul.f32 $1.600000000e+02, v21;
	v21 =	vpop (erf);
	[tilespmem:v10+s16+$0x0] =	vst.idx.add.s32.msk $0xffff, v17  }
0x92: {  	v11 =	vand.u32 $0xFFFFFFF0, v11;
	v17 =	vtrunc.f32 v16;
	v21 =	vmul.f32 $1.600000000e+02, v21;
	[tilespmem:v10+s18+$0x0] =	vst.idx.add.f32.msk $0xffff, v2  }
0x93: {  	(erf) = vpow2.f32 v18;
	v2 =	vadd.f32 $1.000000000e+00, v4;
	v4 =	vcvt.f32.s32 v17;
	v10 =	vld [tilespmem:s4+$0x70]  }
0x94: {  	v15 =	vld [tilespmem:s31+$0xFFFFFFB0];
	v6 =	vmul.f32 $1.600000000e+02, v6;
	v17 =	vadd.f32 $1.000000000e+00, v20;
	v20 =	vtrunc.f32 v21  }
0x95: {  	s0 =	simm.s32 $0x280;
	v13 =	vld [tilespmem:s31+$0x10];
	v23 =	vtrunc.f32 v12;
	v20 =	vcvt.f32.s32 v20;
	v4 =	vand.u32 $0xFFFFFFF0, v4  }
0x96: {  	v36 =	vld [tilespmem:s0+$0x40];
	v26 =	vpop (erf);
	v23 =	vcvt.f32.s32 v23;
	v27 =	vtrunc.f32 v6;
	v4 =	vor.u32 v63, v4  }
0x97: {  	v44 =	vld [tilespmem:s0+$0xFFFFFF80];
	v26 =	vmul.f32 $1.600000000e+02, v26;
	v27 =	vcvt.f32.s32 v27;
	v20 =	vand.u32 $0xFFFFFFF0, v20  }
0x98: {  	v45 =	vld [tilespmem:s0+$0x20];
	v29 =	vpop (erf);
	v23 =	vand.u32 $0xFFFFFFF0, v23;
	v32 =	vor.u32 v63, v20;
	v10 =	vsub.f32 $0.0e+00, v10  }
0x99: {  	v31 =	vpop (erf);
	(erf) = vrcp.f32 v2;
	v2 =	vadd.s32 $0x10000, v24;
	v24 =	vand.u32 $0xFFFFFFF0, v27;
	v27 =	vld [tilespmem:s0+$0xFFFFFFC0]  }
0x9a: {  	v23 =	vor.u32 v63, v23;
	v20 =	vmul.f32 $1.600000000e+02, v31;
	v31 =	vld [tilespmem:s19+$0x20];
	v10 =	vmul.f32 $1.442695020e+00, v10  }
0x9b: {  	v36 =	vsub.f32 $0.0e+00, v36;
	v8 =	vadd.f32 $1.000000000e+00, v8;
	v29 =	vmul.f32 $1.600000000e+02, v29;
	[tilespmem:v4+s16+$0x0] =	vst.idx.add.s32.msk $0xffff, v25  }
0x9c: {  	v22 =	vadd.f32 $1.000000000e+00, v22;
	v34 =	vtrunc.f32 v26;
	[tilespmem:v4+s18+$0x0] =	vst.idx.add.f32.msk $0xffff, v16;
	(erf) = vpow2.f32 v10  }
0x9d: {  	[tilespmem:v32+s16+$0x0] =	vst.idx.add.s32.msk $0xffff, v2;
	v10 =	vadd.s32 v1, v11;
	v11 =	vcvt.f32.s32 v34;
	(erf) = vrcp.f32 v17  }
0x9e: {  	v25 =	vtrunc.f32 v29;
	v2 =	vpop (erf);
	[tilespmem:v32+s18+$0x0] =	vst.idx.add.f32.msk $0xffff, v21;
	(erf) = vrcp.f32 v8;
	v8 =	vadd.s32 $0x10000, v28  }
0x9f: {  	v24 =	vor.u32 v63, v24;
	v16 =	vcvt.f32.s32 v25;
	v11 =	vand.u32 $0xFFFFFFF0, v11;
	[tilespmem:v23+s16+$0x0] =	vst.idx.add.s32.msk $0xffff, v8  }
0xa0: {  	v2 =	vadd.f32 $1.000000000e+00, v2;
	v21 =	vor.u32 v63, v11;
	v11 =	vadd.s32 $0x10000, v15;
	v15 =	vld [tilespmem:s4+$0xFFFFFF90]  }
0xa1: {  	v4 =	vtrunc.f32 v20;
	v17 =	vadd.s32 $0x10000, v30;
	(erf) = vrcp.f32 v22;
	[tilespmem:v23+s18+$0x0] =	vst.idx.add.f32.msk $0xffff, v12  }
0xa2: {  	v12 =	vadd.s32 $0x10000, v14;
	v14 =	vand.u32 $0xFFFFFFF0, v16;
	v16 =	vld [tilespmem:s0+$0x60];
	v8 =	vpop (erf);
	(erf) = vrcp.f32 v2  }
0xa3: {  	v2 =	vcvt.f32.s32 v4;
	v22 =	vor.u32 v63, v14;
	v14 =	vld [tilespmem:s0+$0xFFFFFFA0];
	v4 =	vadd.f32 $1.000000000e+00, v8  }
0xa4: {  	[tilespmem:v24+s16+$0x0] =	vst.idx.add.s32.msk $0xffff, v17  }
0xa5: {  	v36 =	vmul.f32 $1.442695020e+00, v36;
	[tilespmem:v24+s18+$0x0] =	vst.idx.add.f32.msk $0xffff, v6;
	v24 =	vadd.s32 $0x10000, v31;
	v8 =	vpop (erf);
	v15 =	vsub.f32 $0.0e+00, v15  }
0xa6: {  	v28 =	vld [tilespmem:s0+$0xFFFFFFE0];
	v2 =	vand.u32 $0xFFFFFFF0, v2;
	v8 =	vadd.f32 $1.000000000e+00, v8;
	(erf) = vrcp.f32 v4  }
0xa7: {  	v31 =	vld [tilespmem:s0+$0x0];
	v23 =	vor.u32 v63, v2;
	v16 =	vsub.f32 $0.0e+00, v16;
	v4 =	vpop (erf);
	v15 =	vmul.f32 $1.442695020e+00, v15  }
0xa8: {  	v14 =	vsub.f32 $0.0e+00, v14;
	[tilespmem:v22+s16+$0x0] =	vst.idx.add.s32.msk $0xffff, v24;
	v24 =	vsub.f32 $0.0e+00, v27;
	v17 =	vmul.f32 $1.600000000e+02, v4  }
0xa9: {  	v7 =	vld [tilespmem:s31+$0xFFFFFFD0];
	v2 =	vpop (erf);
	v4 =	vadd.s32 $0x10000, v33;
	(erf) = vrcp.f32 v8;
	v42 =	vmul.f32 $1.442695020e+00, v16  }
0xaa: {  	[tilespmem:v22+s18+$0x0] =	vst.idx.add.f32.msk $0xffff, v29;
	v29 =	vsub.f32 $0.0e+00, v44;
	v2 =	vadd.f32 $1.000000000e+00, v2;
	v27 =	vmul.f32 $1.442695020e+00, v14  }
0xab: {  	v3 =	vld [tilespmem:s31+$0xFFFFFFF0];
	v6 =	vpop (erf);
	v14 =	vadd.s32 $0x10000, v13;
	v13 =	vmul.f32 $1.442695020e+00, v24;
	v25 =	vtrunc.f32 v17  }
0xac: {  	[tilespmem:v21+s16+$0x0] =	vst.idx.add.s32.msk $0xffff, v4;
	v24 =	vsub.f32 $0.0e+00, v28;
	v4 =	vmul.f32 $1.600000000e+02, v6;
	v6 =	vpop (erf);
	(erf) = vrcp.f32 v2  }
0xad: {  	v5 =	vld [tilespmem:s31+$0x30];
	v28 =	vsub.f32 $0.0e+00, v31;
	v2 =	vmul.f32 $1.600000000e+02, v6;
	v6 =	vpop (erf);
	(erf) = vpow2.f32 v15  }
0xae: {  	v31 =	vsub.f32 $0.0e+00, v45;
	v8 =	vmul.f32 $1.600000000e+02, v6;
	v6 =	vpop (erf);
	(erf) = vpow2.f32 v42  }
0xaf: {  	v35 =	vld [tilespmem:s19+$0x40];
	v16 =	vadd.s32 $0x10000, v7;
	v29 =	vmul.f32 $1.442695020e+00, v29;
	v7 =	vpop (erf);
	(erf) = vpow2.f32 v27  }
0xb0: {  	v37 =	vld [tilespmem:s4+$0x30];
	v28 =	vmul.f32 $1.442695020e+00, v28;
	v31 =	vmul.f32 $1.442695020e+00, v31  }
0xb1: {  	[tilespmem:v21+s18+$0x0] =	vst.idx.add.f32.msk $0xffff, v26;
	v25 =	vcvt.f32.s32 v25;
	v21 =	vtrunc.f32 v4;
	v15 =	vadd.s32 $0x10000, v3  }
0xb2: {  	v18 =	vld [tilespmem:s31+$0x50];
	v3 =	vpop (erf);
	(erf) = vpow2.f32 v13;
	v13 =	vadd.s32 $0x10000, v5;
	v5 =	vmul.f32 $1.442695020e+00, v24  }
0xb3: {  	v19 =	vld [tilespmem:s31+$0x70];
	v30 =	vtrunc.f32 v2;
	v6 =	vmul.f32 $1.600000000e+02, v6  }
0xb4: {  	v21 =	vcvt.f32.s32 v21;
	v27 =	vld [tilespmem:s4+$0xFFFFFFB0];
	(erf) = vpow2.f32 v5  }
0xb5: {  	v43 =	vtrunc.f32 v8;
	v37 =	vsub.f32 $0.0e+00, v37;
	v24 =	vld [tilespmem:s4+$0xFFFFFFD0];
	v47 =	vpop (erf);
	(erf) = vpow2.f32 v29  }
0xb6: {  	v48 =	vld [tilespmem:s4+$0xFFFFFFF0];
	v26 =	vadd.s32 $0x10000, v35;
	v7 =	vmul.f32 $1.600000000e+02, v7;
	v46 =	vtrunc.f32 v6;
	v29 =	vpop (erf)  }
0xb7: {  	v37 =	vmul.f32 $1.442695020e+00, v37;
	v5 =	vadd.s32 $0x10000, v18;
	v18 =	vld [tilespmem:s4+$0x10];
	(erf) = vpow2.f32 v28;
	v28 =	vpop (erf)  }
0xb8: {  	[tilespmem:v23+s16+$0x0] =	vst.idx.add.s32.msk $0xffff, v26;
	v22 =	vtrunc.f32 v7;
	(erf) = vpow2.f32 v31;
	v31 =	vpop (erf)  }
0xb9: {  	[tilespmem:v23+s18+$0x0] =	vst.idx.add.f32.msk $0xffff, v20;
	v3 =	vmul.f32 $1.600000000e+02, v3;
	v23 =	vadd.f32 $1.000000000e+00, v28;
	v31 =	vadd.f32 $1.000000000e+00, v31  }
0xba: {  	v27 =	vsub.f32 $0.0e+00, v27;
	v24 =	vsub.f32 $0.0e+00, v24;
	(erf) = vpow2.f32 v36  }
0xbb: {  	v19 =	vadd.s32 $0x10000, v19;
	s31 =	simm.s32 $0x8280;
	v32 =	vmul.f32 $1.600000000e+02, v47;
	(erf) = vrcp.f32 v23  }
0xbc: {  	v44 =	vld [tilespmem:s31+$0x60];
	v27 =	vmul.f32 $1.442695020e+00, v27;
	v18 =	vsub.f32 $0.0e+00, v18;
	v24 =	vmul.f32 $1.442695020e+00, v24;
	v49 =	vpop (erf)  }
0xbd: {  	v45 =	vld [tilespmem:s31+$0xFFFFFFA0];
	v23 =	vsub.f32 $0.0e+00, v48;
	(erf) = vrcp.f32 v31;
	v34 =	vadd.f32 $1.000000000e+00, v49;
	v31 =	vpop (erf)  }
0xbe: {  	v51 =	vmul.f32 $1.442695020e+00, v18;
	(erf) = vpow2.f32 v27;
	v18 =	vadd.f32 $1.000000000e+00, v31;
	v31 =	vpop (erf)  }
0xbf: {  	v28 =	vld [tilespmem:s4+$0x50];
	v23 =	vmul.f32 $1.442695020e+00, v23;
	(erf) = vrcp.f32 v34;
	v31 =	vadd.f32 $1.000000000e+00, v31  }
0xc0: {  	v50 =	vld [tilespmem:s19+$0x70];
	v25 =	vand.u32 $0xFFFFFFF0, v25;
	v22 =	vcvt.f32.s32 v22;
	(erf) = vpow2.f32 v24  }
0xc1: {  	[tilespmem:v10+s16+$0x0] =	vst.idx.add.s32.msk $0xffff, v19;
	v44 =	vadd.s32 $0x10000, v44;
	v20 =	vtrunc.f32 v32;
	v38 =	vpop (erf);
	(erf) = vpow2.f32 v23  }
0xc2: {  	[tilespmem:v10+s18+$0x0] =	vst.idx.add.f32.msk $0xffff, v9;
	v45 =	vadd.s32 $0x10000, v45;
	v20 =	vcvt.f32.s32 v20;
	v52 =	vpop (erf);
	(erf) = vrcp.f32 v18  }
0xc3: {  	v21 =	vand.u32 $0xFFFFFFF0, v21;
	v26 =	vtrunc.f32 v3;
	v27 =	vld [tilespmem:s19+$0xFFFFFF90];
	(erf) = vrcp.f32 v31;
	v31 =	vpop (erf)  }
0xc4: {  	v26 =	vcvt.f32.s32 v26;
	v20 =	vand.u32 $0xFFFFFFF0, v20;
	v28 =	vsub.f32 $0.0e+00, v28;
	v24 =	vld [tilespmem:s19+$0xFFFFFFB0];
	v10 =	vpop (erf)  }
0xc5: {  	v20 =	vadd.s32 v1, v20;
	v53 =	vadd.f32 $1.000000000e+00, v38;
	v54 =	vmul.f32 $1.600000000e+02, v10  }
0xc6: {  	v23 =	vmul.f32 $1.442695020e+00, v28;
	v28 =	vadd.s32 $0x10000, v50;
	v31 =	vadd.f32 $1.000000000e+00, v31;
	v55 =	vpop (erf)  }
0xc7: {  	v62 =	vld [tilespmem:s31+$0xFFFFFF80];
	v36 =	vadd.f32 $1.000000000e+00, v52;
	(erf) = vrcp.f32 v53;
	v56 =	vpop (erf);
	v40 =	vtrunc.f32 v54  }
0xc8: {  	v19 =	vld [tilespmem:s19+$0xFFFFFFF0];
	v9 =	vadd.s32 $0x10000, v27;
	v27 =	vcvt.f32.s32 v30;
	v42 =	vpop (erf);
	v40 =	vcvt.f32.s32 v40  }
0xc9: {  	v41 =	vld [tilespmem:s19+$0x30];
	v30 =	vcvt.f32.s32 v43;
	v10 =	vadd.s32 $0x10000, v24;
	(erf) = vrcp.f32 v36;
	v57 =	vpop (erf)  }
0xca: {  	[tilespmem:v20+s16+$0x0] =	vst.idx.add.s32.msk $0xffff, v28;
	(erf) = vrcp.f32 v31;
	v28 =	vmul.f32 $1.600000000e+02, v55;
	v31 =	vpop (erf);
	v40 =	vand.u32 $0xFFFFFFF0, v40  }
0xcb: {  	v39 =	vld [tilespmem:s19+$0x10];
	v24 =	vcvt.f32.s32 v46;
	(erf) = vpow2.f32 v51;
	v58 =	vpop (erf);
	v59 =	vor.u32 v63, v40  }
0xcc: {  	[tilespmem:v20+s18+$0x0] =	vst.idx.add.f32.msk $0xffff, v32;
	v20 =	vand.u32 $0xFFFFFFF0, v30;
	v30 =	vmul.f32 $1.600000000e+02, v42;
	v61 =	vtrunc.f32 v28;
	v60 =	vpop (erf)  }
0xcd: {  	v22 =	vand.u32 $0xFFFFFFF0, v22;
	v48 =	vld [tilespmem:s31+$0xFFFFFFE0];
	(erf) = vpow2.f32 v37;
	v32 =	vmul.f32 $1.600000000e+02, v60  }
0xce: {  	v29 =	vadd.f32 $1.000000000e+00, v29;
	v50 =	vld [tilespmem:s31+$0x0];
	v37 =	vcvt.f32.s32 v61;
	v42 =	vtrunc.f32 v30  }
0xcf: {  	v18 =	vld [tilespmem:s19+$0xFFFFFFD0];
	v33 =	vadd.f32 $1.000000000e+00, v56;
	(erf) = vpow2.f32 v23;
	v47 =	vtrunc.f32 v32  }
0xd0: {  	v36 =	vadd.f32 $1.000000000e+00, v57;
	v42 =	vcvt.f32.s32 v42;
	v56 =	vpop (erf);
	v23 =	vcvt.f32.s32 v47;
	[tilespmem:v59+s16+$0x0] =	vst.idx.add.s32.msk $0xffff, v44  }
0xd1: {  	v34 =	vmul.f32 $1.600000000e+02, v58;
	v37 =	vand.u32 $0xFFFFFFF0, v37;
	v35 =	vmul.f32 $1.600000000e+02, v56;
	[tilespmem:v59+s18+$0x0] =	vst.idx.add.f32.msk $0xffff, v54  }
0xd2: {  	v37 =	vor.u32 v63, v37;
	v57 =	vpop (erf);
	(erf) = vrcp.f32 v29;
	v23 =	vand.u32 $0xFFFFFFF0, v23;
	v58 =	vld [tilespmem:s0+$0x70]  }
0xd3: {  	v43 =	vld [tilespmem:s19+$0x50];
	v38 =	vmul.f32 $1.600000000e+02, v57;
	v49 =	vpop (erf);
	v51 =	vtrunc.f32 v35;
	v23 =	vor.u32 v63, v23  }
0xd4: {  	v53 =	vld [tilespmem:s31+$0x20];
	v40 =	vadd.s32 $0x10000, v62;
	v49 =	vmul.f32 $1.600000000e+02, v49;
	v51 =	vcvt.f32.s32 v51  }
0xd5: {  	v46 =	vld [tilespmem:s31+$0xFFFFFFC0];
	v42 =	vand.u32 $0xFFFFFFF0, v42;
	v59 =	vtrunc.f32 v34;
	v52 =	vtrunc.f32 v38  }
0xd6: {  	v55 =	vld [tilespmem:s31+$0x40];
	v42 =	vor.u32 v63, v42;
	v47 =	vcvt.f32.s32 v59;
	v52 =	vcvt.f32.s32 v52  }
0xd7: {  	[tilespmem:v37+s16+$0x0] =	vst.idx.add.s32.msk $0xffff, v45;
	v54 =	vtrunc.f32 v49;
	v61 =	vand.u32 $0xFFFFFFF0, v51;
	v44 =	vsub.f32 $0.0e+00, v58  }
0xd8: {  	v47 =	vand.u32 $0xFFFFFFF0, v47;
	v62 =	vand.u32 $0xFFFFFFF0, v52;
	v52 =	vor.u32 v63, v61;
	[tilespmem:v23+s16+$0x0] =	vst.idx.add.s32.msk $0xffff, v40  }
0xd9: {  	v60 =	vcvt.f32.s32 v54;
	v47 =	vor.u32 v63, v47;
	[tilespmem:v23+s18+$0x0] =	vst.idx.add.f32.msk $0xffff, v32;
	v23 =	vmul.f32 $1.442695020e+00, v44  }
0xda: {  	v27 =	vand.u32 $0xFFFFFFF0, v27;
	v31 =	vadd.f32 $1.000000000e+00, v31;
	[tilespmem:v37+s18+$0x0] =	vst.idx.add.f32.msk $0xffff, v28;
	v54 =	vadd.s32 $0x10000, v46  }
0xdb: {  	v28 =	vpop (erf);
	[tilespmem:v42+s16+$0x0] =	vst.idx.add.s32.msk $0xffff, v54;
	v56 =	vor.u32 v63, v62;
	v29 =	vand.u32 $0xFFFFFFF0, v60;
	(erf) = vpow2.f32 v23  }
0xdc: {  	[tilespmem:v42+s18+$0x0] =	vst.idx.add.f32.msk $0xffff, v30;
	v60 =	vadd.f32 $1.000000000e+00, v28;
	v58 =	vadd.s32 $0x10000, v50;
	(erf) = vrcp.f32 v33  }
0xdd: {  	v57 =	vor.u32 v63, v29;
	v29 =	vadd.s32 $0x10000, v48;
	[tilespmem:v52+s16+$0x0] =	vst.idx.add.s32.msk $0xffff, v58;
	v23 =	vpop (erf);
	(erf) = vrcp.f32 v36  }
0xde: {  	v24 =	vand.u32 $0xFFFFFFF0, v24;
	[tilespmem:v47+s16+$0x0] =	vst.idx.add.s32.msk $0xffff, v29;
	v30 =	vpop (erf);
	v23 =	vadd.f32 $1.000000000e+00, v23;
	(erf) = vrcp.f32 v31  }
0xdf: {  	v59 =	vadd.s32 $0x10000, v53;
	[tilespmem:v52+s18+$0x0] =	vst.idx.add.f32.msk $0xffff, v35;
	v62 =	vadd.f32 $1.000000000e+00, v30;
	(erf) = vrcp.f32 v60  }
0xe0: {  	v61 =	vadd.s32 $0x10000, v55;
	v28 =	vadd.s32 v1, v27;
	[tilespmem:v56+s16+$0x0] =	vst.idx.add.s32.msk $0xffff, v59;
	v31 =	vpop (erf);
	(erf) = vrcp.f32 v23  }
0xe1: {  	v27 =	vadd.s32 v1, v20;
	v20 =	vadd.s32 $0x10000, v39;
	[tilespmem:v47+s18+$0x0] =	vst.idx.add.f32.msk $0xffff, v34;
	(erf) = vrcp.f32 v62  }
0xe2: {  	v29 =	vadd.s32 v1, v21;
	v21 =	vand.u32 $0xFFFFFFF0, v26;
	v26 =	vadd.s32 v1, v24;
	[tilespmem:v56+s18+$0x0] =	vst.idx.add.f32.msk $0xffff, v38  }
0xe3: {  	v24 =	vadd.s32 v1, v21;
	v21 =	vadd.s32 $0x10000, v19;
	[tilespmem:v57+s16+$0x0] =	vst.idx.add.s32.msk $0xffff, v61;
	v19 =	vadd.s32 $0x10000, v41  }
0xe4: {  	[tilespmem:v57+s18+$0x0] =	vst.idx.add.f32.msk $0xffff, v49;
	v30 =	vadd.s32 v1, v25;
	v25 =	vadd.s32 v1, v22;
	v23 =	vmul.f32 $1.600000000e+02, v31;
	v63 =	vpop (erf)  }
0xe5: {  	s4 =	simm.s32 $0x10;
	s19 =	simm.s32 $0x380;
	v22 =	vadd.s32 $0x10000, v18;
	v18 =	vadd.s32 $0x10000, v43;
	v31 =	vld [tilespmem:s0+$0xFFFFFF90];
	v32 =	vadd.f32 $1.000000000e+00, v63;
	v38 =	vpop (erf)  }
.LBB2_3:
0xe6: {  	v34 =	vld [tilespmem:s19+$0x60];
	v43 =	vtrunc.f32 v23;
	v41 =	vmul.f32 $1.600000000e+02, v38;
	v33 =	vpop (erf)  }
0xe7: {  	v35 =	vld [tilespmem:s19+$0xFFFFFFA0];
	(erf) = vrcp.f32 v32;
	v42 =	vmul.f32 $1.600000000e+02, v33;
	v32 =	vpop (erf)  }
0xe8: {  	s4 =	sadd.s32 $0x8, s4;
	v37 =	vld [tilespmem:s19+$0xFFFFFFC0];
	v45 =	vtrunc.f32 v41;
	v33 =	vmul.f32 $1.600000000e+02, v32;
	v32 =	vpop (erf)  }
0xe9: {  	p0 =	slt.u32 s4, $0x1F8;
	v38 =	vld [tilespmem:s19+$0xFFFFFFE0];
	v46 =	vtrunc.f32 v42;
	v36 =	vmul.f32 $1.600000000e+02, v32;
	v32 =	vpop (erf)  }
0xea: {  	v39 =	vld [tilespmem:s19+$0x0];
	v40 =	vsub.f32 $0.0e+00, v31;
	v47 =	vtrunc.f32 v33;
	v32 =	vmul.f32 $1.600000000e+02, v32;
	v31 =	vpop (erf)  }
0xeb: {  	v44 =	vld [tilespmem:s19+$0x20];
	v34 =	vsub.f32 $0.0e+00, v34;
	v48 =	vtrunc.f32 v36;
	v31 =	vmul.f32 $1.600000000e+02, v31  }
0xec: {  	v35 =	vsub.f32 $0.0e+00, v35;
	v49 =	vld [tilespmem:s19+$0x40];
	v40 =	vmul.f32 $1.442695020e+00, v40;
	v50 =	vtrunc.f32 v32  }
0xed: {  	v51 =	vld [tilespmem:s19+$0xFFFFFF80];
	v37 =	vsub.f32 $0.0e+00, v37;
	v34 =	vmul.f32 $1.442695020e+00, v34;
	v52 =	vtrunc.f32 v31  }
0xee: {  	v35 =	vmul.f32 $1.442695020e+00, v35;
	v38 =	vsub.f32 $0.0e+00, v38;
	v53 =	vld [tilespmem:s0+$0xFFFFFFB0];
	(erf) = vpow2.f32 v40  }
0xef: {  	v37 =	vmul.f32 $1.442695020e+00, v37;
	v39 =	vsub.f32 $0.0e+00, v39;
	(erf) = vpow2.f32 v34;
	v34 =	vld [tilespmem:s0+$0xFFFFFFD0]  }
0xf0: {  	v38 =	vmul.f32 $1.442695020e+00, v38;
	v40 =	vsub.f32 $0.0e+00, v44;
	(erf) = vpow2.f32 v35;
	v35 =	vld [tilespmem:s0+$0xFFFFFFF0];
	v44 =	vpop (erf)  }
0xf1: {  	v39 =	vmul.f32 $1.442695020e+00, v39;
	v49 =	vsub.f32 $0.0e+00, v49;
	v54 =	vld [tilespmem:s0+$0x10];
	v55 =	vmul.f32 $1.600000000e+02, v44  }
0xf2: {  	v44 =	vsub.f32 $0.0e+00, v51;
	v40 =	vmul.f32 $1.442695020e+00, v40;
	(erf) = vpow2.f32 v37;
	v37 =	vld [tilespmem:s0+$0x30]  }
0xf3: {  	v49 =	vmul.f32 $1.442695020e+00, v49;
	v51 =	vsub.f32 $0.0e+00, v53;
	v53 =	vld [tilespmem:s0+$0x50];
	v56 =	vtrunc.f32 v55;
	s0 =	smov.u32 s19  }
0xf4: {  	v44 =	vmul.f32 $1.442695020e+00, v44;
	v57 =	vld [tilespmem:s31+$0xFFFFFF90];
	v58 =	vsub.f32 $0.0e+00, v34;
	v34 =	vcvt.f32.s32 v56  }
0xf5: {  	(erf) = vpow2.f32 v38;
	v56 =	vld [tilespmem:s31+$0xFFFFFFB0];
	v51 =	vmul.f32 $1.442695020e+00, v51;
	v38 =	vsub.f32 $0.0e+00, v35  }
0xf6: {  	(erf) = vpow2.f32 v44;
	v44 =	vsub.f32 $0.0e+00, v54;
	v54 =	vld [tilespmem:s31+$0x70];
	v35 =	vand.u32 $0xFFFFFFF0, v34  }
0xf7: {  	(erf) = vpow2.f32 v39;
	v34 =	vld [tilespmem:s31+$0xFFFFFFD0];
	v39 =	vsub.f32 $0.0e+00, v37;
	v59 =	vadd.s32 v1, v35;
	v60 =	vpop (erf)  }
0xf8: {  	v58 =	vmul.f32 $1.442695020e+00, v58;
	(erf) = vpow2.f32 v40;
	v37 =	vpop (erf);
	v35 =	vld [tilespmem:s31+$0xFFFFFFF0];
	v40 =	vsub.f32 $0.0e+00, v53  }
0xf9: {  	v53 =	vadd.f32 $1.000000000e+00, v37;
	v61 =	vpop (erf);
	(erf) = vpow2.f32 v49;
	v49 =	vmul.f32 $1.442695020e+00, v38;
	v37 =	vld [tilespmem:s31+$0x10]  }
0xfa: {  	v62 =	vmul.f32 $1.442695020e+00, v44;
	v63 =	vmul.f32 $1.442695020e+00, v39;
	v61 =	vadd.f32 $1.000000000e+00, v61;
	v38 =	vld [tilespmem:s31+$0x30]  }
0xfb: {  	v44 =	vpop (erf)  }
0xfc: {  	v0 =	vadd.f32 $1.000000000e+00, v44  }
0xfd: {  	(erf) = vrcp.f32 v53;
	v39 =	vld [tilespmem:s31+$0x50];
	v53 =	vmul.f32 $1.442695020e+00, v40;
	v54 =	vadd.s32 $0x10000, v54  }
0xfe: {  	v40 =	vadd.f32 $1.000000000e+00, v60;
	(erf) = vrcp.f32 v61;
	[tilespmem:v59+s16+$0x0] =	vst.idx.add.s32.msk $0xffff, v54  }
0xff: {  	v44 =	vadd.s32 $0x10000, v57;
	[tilespmem:v59+s18+$0x0] =	vst.idx.add.f32.msk $0xffff, v55;
	(erf) = vpow2.f32 v51;
	v51 =	vcvt.f32.s32 v43  }
0x100: {  	v45 =	vcvt.f32.s32 v45;
	v43 =	vadd.s32 $0x10000, v56;
	(erf) = vrcp.f32 v0;
	[tilespmem:v30+s16+$0x0] =	vst.idx.add.s32.msk $0xffff, v12;
	v0 =	vpop (erf)  }
0x101: {  	v46 =	vcvt.f32.s32 v46;
	v54 =	vadd.f32 $1.000000000e+00, v0;
	v12 =	vpop (erf);
	(erf) = vpow2.f32 v58;
	[tilespmem:v30+s18+$0x0] =	vst.idx.add.f32.msk $0xffff, v17  }
0x102: {  	v30 =	vcvt.f32.s32 v47;
	v12 =	vadd.f32 $1.000000000e+00, v12;
	v17 =	vpop (erf);
	(erf) = vpow2.f32 v49;
	[tilespmem:v29+s16+$0x0] =	vst.idx.add.s32.msk $0xffff, v11  }
0x103: {  	v47 =	vcvt.f32.s32 v48;
	v11 =	vadd.f32 $1.000000000e+00, v17;
	(erf) = vrcp.f32 v54;
	v0 =	vpop (erf);
	[tilespmem:v29+s18+$0x0] =	vst.idx.add.f32.msk $0xffff, v4  }
0x104: {  	v17 =	vcvt.f32.s32 v50;
	v48 =	vadd.f32 $1.000000000e+00, v0;
	(erf) = vrcp.f32 v12;
	v4 =	vpop (erf);
	[tilespmem:v28+s16+$0x0] =	vst.idx.add.s32.msk $0xffff, v16  }
0x105: {  	v29 =	vcvt.f32.s32 v52;
	v12 =	vadd.f32 $1.000000000e+00, v4;
	(erf) = vrcp.f32 v11;
	[tilespmem:v28+s18+$0x0] =	vst.idx.add.f32.msk $0xffff, v2;
	v4 =	vmovc v41;
	v2 =	vmovc v42  }
0x106: {  	v28 =	vand.u32 $0xFFFFFFF0, v51;
	v41 =	vand.u32 $0xFFFFFFF0, v45;
	(erf) = vrcp.f32 v48;
	v0 =	vpop (erf);
	[tilespmem:v27+s16+$0x0] =	vst.idx.add.s32.msk $0xffff, v15  }
0x107: {  	v0 =	vmul.f32 $1.600000000e+02, v0;
	v11 =	vpop (erf)  }
0x108: {  	v42 =	vand.u32 $0xFFFFFFF0, v46;
	(erf) = vrcp.f32 v12;
	[tilespmem:v27+s18+$0x0] =	vst.idx.add.f32.msk $0xffff, v8;
	v46 =	vmul.f32 $1.600000000e+02, v11  }
0x109: {  	v27 =	vand.u32 $0xFFFFFFF0, v30;
	v8 =	vpop (erf);
	(erf) = vpow2.f32 v62;
	[tilespmem:v26+s16+$0x0] =	vst.idx.add.s32.msk $0xffff, v14;
	v11 =	vtrunc.f32 v0  }
0x10a: {  	v12 =	vpop (erf);
	v45 =	vadd.f32 $1.000000000e+00, v8;
	(erf) = vpow2.f32 v63;
	v63 =	vlaneseq.u32;
	[tilespmem:v26+s18+$0x0] =	vst.idx.add.f32.msk $0xffff, v6  }
0x10b: {  	v26 =	vand.u32 $0xFFFFFFF0, v47;
	v48 =	vmul.f32 $1.600000000e+02, v12;
	v6 =	vcvt.f32.s32 v11;
	v8 =	vpop (erf);
	[tilespmem:v25+s16+$0x0] =	vst.idx.add.s32.msk $0xffff, v13  }
0x10c: {  	s31 =	sadd.s32 $0x100, s31;
	v11 =	vtrunc.f32 v46;
	v47 =	vadd.f32 $1.000000000e+00, v8;
	v8 =	vpop (erf);
	(erf) = vpow2.f32 v53;
	[tilespmem:v25+s18+$0x0] =	vst.idx.add.f32.msk $0xffff, v7  }
0x10d: {  	v7 =	vcvt.f32.s32 v11;
	v11 =	vtrunc.f32 v48;
	v12 =	vld [tilespmem:s31+$0x60];
	v6 =	vand.u32 $0xFFFFFFF0, v6;
	v13 =	vpop (erf)  }
0x10e: {  	v14 =	vld [tilespmem:s31+$0xFFFFFF80];
	v11 =	vcvt.f32.s32 v11;
	v49 =	vmul.f32 $1.600000000e+02, v13;
	v6 =	vor.u32 v63, v6;
	v13 =	vpop (erf)  }
0x10f: {  	v50 =	vadd.f32 $1.000000000e+00, v8;
	v55 =	vand.u32 $0xFFFFFFF0, v7;
	v13 =	vmul.f32 $1.600000000e+02, v13;
	v15 =	vld [tilespmem:s31+$0xFFFFFFA0];
	v16 =	vpop (erf)  }
0x110: {  	v25 =	vld [tilespmem:s31+$0xFFFFFFC0];
	v8 =	vand.u32 $0xFFFFFFF0, v11;
	v11 =	vtrunc.f32 v49;
	v51 =	vmul.f32 $1.600000000e+02, v16;
	v16 =	vpop (erf)  }
0x111: {  	v52 =	vor.u32 v63, v55;
	v30 =	vtrunc.f32 v13;
	v53 =	vld [tilespmem:s31+$0xFFFFFFE0];
	v54 =	vmul.f32 $1.600000000e+02, v16;
	v7 =	vpop (erf)  }
0x112: {  	v16 =	vld [tilespmem:s31+$0x0];
	v55 =	vtrunc.f32 v51;
	v56 =	vmul.f32 $1.600000000e+02, v7;
	v7 =	vadd.s32 $0x10000, v12;
	v57 =	vpop (erf)  }
0x113: {  	v12 =	vcvt.f32.s32 v30;
	[tilespmem:v6+s16+$0x0] =	vst.idx.add.s32.msk $0xffff, v7;
	v7 =	vcvt.f32.s32 v11  }
0x114: {  	v58 =	vor.u32 v63, v8;
	v30 =	vtrunc.f32 v54;
	v59 =	vpop (erf)  }
0x115: {  	v14 =	vadd.s32 $0x10000, v14;
	v8 =	vmovc v33;
	v11 =	vtrunc.f32 v56;
	[tilespmem:v6+s18+$0x0] =	vst.idx.add.f32.msk $0xffff, v0;
	v6 =	vmov v36  }
0x116: {  	v33 =	vcvt.f32.s32 v55;
	v0 =	vand.u32 $0xFFFFFFF0, v12;
	v30 =	vcvt.f32.s32 v30;
	v36 =	vld [tilespmem:s19+$0x70];
	v55 =	vpop (erf)  }
0x117: {  	v0 =	vor.u32 v63, v0;
	v60 =	vand.u32 $0xFFFFFFF0, v7;
	v62 =	vcvt.f32.s32 v11;
	v61 =	vld [tilespmem:s31+$0x20];
	v12 =	vmovc v9;
	v7 =	vmovc v32  }
0x118: {  	v33 =	vand.u32 $0xFFFFFFF0, v33;
	v30 =	vand.u32 $0xFFFFFFF0, v30;
	v9 =	vmovc v44;
	v32 =	vor.u32 v63, v60;
	v11 =	vmovc v10;
	v60 =	vld [tilespmem:s31+$0x40]  }
0x119: {  	v33 =	vor.u32 v63, v33;
	v44 =	vor.u32 v63, v30;
	v30 =	vand.u32 $0xFFFFFFF0, v62;
	[tilespmem:v24+s16+$0x0] =	vst.idx.add.s32.msk $0xffff, v5  }
0x11a: {  	v25 =	vadd.s32 $0x10000, v25;
	v62 =	vor.u32 v63, v30;
	v5 =	vadd.s32 $0x10000, v15;
	[tilespmem:v24+s18+$0x0] =	vst.idx.add.f32.msk $0xffff, v3;
	v3 =	vmovc v31  }
0x11b: {  	v10 =	vmovc v43;
	v24 =	vadd.s32 $0x10000, v53;
	v31 =	vadd.s32 $0x10000, v16;
	v30 =	vsub.f32 $0.0e+00, v36;
	v16 =	vmovc v22;
	[tilespmem:v52+s16+$0x0] =	vst.idx.add.s32.msk $0xffff, v5  }
0x11c: {  	v43 =	vadd.f32 $1.000000000e+00, v57;
	v15 =	vmovc v21;
	v53 =	vadd.f32 $1.000000000e+00, v59;
	v36 =	vadd.s32 $0x10000, v61;
	[tilespmem:v0+s16+$0x0] =	vst.idx.add.s32.msk $0xffff, v14;
	v14 =	vmovc v20  }
0x11d: {  	v55 =	vadd.f32 $1.000000000e+00, v55;
	v20 =	vmul.f32 $1.442695020e+00, v30;
	v5 =	vmovc v18;
	[tilespmem:v0+s18+$0x0] =	vst.idx.add.f32.msk $0xffff, v13;
	v0 =	vadd.s32 $0x10000, v60;
	v13 =	vmovc v19  }
0x11e: {  	v18 =	vand.u32 $0xFFFFFFF0, v17;
	v17 =	vmovc v23;
	v19 =	vand.u32 $0xFFFFFFF0, v29;
	[tilespmem:v52+s18+$0x0] =	vst.idx.add.f32.msk $0xffff, v46;
	(erf) = vrcp.f32 v40  }
0x11f: {  	v30 =	vadd.s32 v1, v28;
	v29 =	vadd.s32 v1, v41;
	[tilespmem:v58+s16+$0x0] =	vst.idx.add.s32.msk $0xffff, v25;
	(erf) = vpow2.f32 v20  }
0x120: {  	v27 =	vadd.s32 v1, v27;
	v28 =	vadd.s32 v1, v42;
	[tilespmem:v58+s18+$0x0] =	vst.idx.add.f32.msk $0xffff, v48;
	(erf) = vrcp.f32 v45  }
0x121: {  	v26 =	vadd.s32 v1, v26;
	v25 =	vadd.s32 v1, v18;
	[tilespmem:v32+s16+$0x0] =	vst.idx.add.s32.msk $0xffff, v24;
	(erf) = vrcp.f32 v47  }
0x122: {  	v22 =	vadd.s32 $0x10000, v34;
	v24 =	vadd.s32 v1, v19;
	[tilespmem:v32+s18+$0x0] =	vst.idx.add.f32.msk $0xffff, v49;
	(erf) = vrcp.f32 v50  }
0x123: {  	v21 =	vadd.s32 $0x10000, v35;
	v20 =	vadd.s32 $0x10000, v37;
	[tilespmem:v33+s16+$0x0] =	vst.idx.add.s32.msk $0xffff, v31;
	(erf) = vrcp.f32 v43  }
0x124: {  	v18 =	vadd.s32 $0x10000, v39;
	v19 =	vadd.s32 $0x10000, v38;
	[tilespmem:v33+s18+$0x0] =	vst.idx.add.f32.msk $0xffff, v51;
	(erf) = vrcp.f32 v53  }
.Ltmp2:
0x125: {  	[tilespmem:v44+s16+$0x0] =	vst.idx.add.s32.msk $0xffff, v36;
	(erf) = vrcp.f32 v55;
	(pc) =	sbr.rel @p0 .LBB2_3-.Ltmp2, $4  }
0x126: {  	[tilespmem:v44+s18+$0x0] =	vst.idx.add.f32.msk $0xffff, v54  }
0x127: {  	[tilespmem:v62+s16+$0x0] =	vst.idx.add.s32.msk $0xffff, v0;
	v0 =	vpop (erf)  }
0x128: {  	[tilespmem:v62+s18+$0x0] =	vst.idx.add.f32.msk $0xffff, v56;
	v32 =	vpop (erf);
	v23 =	vmul.f32 $1.600000000e+02, v0  }
0x129: {  	s19 =	sadd.s32 $0x100, s19;
	v31 =	vld [tilespmem:s0+$0xFFFFFF90];
	v32 =	vadd.f32 $1.000000000e+00, v32;
	v38 =	vpop (erf)  }
0x12a: {  	v56 =	vld [tilespmem:s0+$0xFFFFFFB0]  }
0x12b: {  	v33 =	vld [tilespmem:s0+$0xFFFFFFD0]  }
0x12c: {  	v43 =	vld [tilespmem:s0+$0xFFFFFFF0]  }
0x12d: {  	v44 =	vld [tilespmem:s0+$0x10]  }
0x12e: {  	v46 =	vld [tilespmem:s0+$0x30]  }
0x12f: {  	v47 =	vld [tilespmem:s0+$0x50]  }
0x130: {  	v37 =	vld [tilespmem:s31+$0xFFFFFF90]  }
0x131: {  	v36 =	vld [tilespmem:s31+$0xFFFFFFB0];
	(erf) = vrcp.f32 v32;
	v31 =	vsub.f32 $0.0e+00, v31  }
0x132: {  	v48 =	vld [tilespmem:s31+$0x70];
	v62 =	vtrunc.f32 v23;
	v32 =	vsub.f32 $0.0e+00, v56  }
0x133: {  	v0 =	vpop (erf);
	v35 =	vld [tilespmem:s31+$0xFFFFFFD0];
	v38 =	vmul.f32 $1.600000000e+02, v38;
	v58 =	vsub.f32 $0.0e+00, v33;
	v31 =	vmul.f32 $1.442695020e+00, v31  }
0x134: {  	[tilespmem:v30+s16+$0x0] =	vst.idx.add.s32.msk $0xffff, v12;
	v39 =	vpop (erf);
	v0 =	vmul.f32 $1.600000000e+02, v0;
	v50 =	vmul.f32 $1.442695020e+00, v32  }
0x135: {  	[tilespmem:v28+s16+$0x0] =	vst.idx.add.s32.msk $0xffff, v16;
	v40 =	vpop (erf);
	v51 =	vmul.f32 $1.442695020e+00, v58;
	(erf) = vpow2.f32 v31  }
0x136: {  	[tilespmem:v28+s18+$0x0] =	vst.idx.add.f32.msk $0xffff, v2;
	v2 =	vcvt.f32.s32 v62;
	v41 =	vpop (erf);
	v43 =	vsub.f32 $0.0e+00, v43;
	(erf) = vpow2.f32 v50  }
0x137: {  	[tilespmem:v30+s18+$0x0] =	vst.idx.add.f32.msk $0xffff, v17;
	v17 =	vmul.f32 $1.600000000e+02, v39;
	v42 =	vpop (erf);
	(erf) = vpow2.f32 v51  }
0x138: {  	[tilespmem:v29+s16+$0x0] =	vst.idx.add.s32.msk $0xffff, v11;
	v52 =	vtrunc.f32 v0;
	v44 =	vsub.f32 $0.0e+00, v44;
	v43 =	vmul.f32 $1.442695020e+00, v43  }
0x139: {  	[tilespmem:v29+s18+$0x0] =	vst.idx.add.f32.msk $0xffff, v4;
	v4 =	vmul.f32 $1.600000000e+02, v40;
	v16 =	vtrunc.f32 v17;
	v12 =	vsub.f32 $0.0e+00, v46  }
0x13a: {  	v57 =	vld [tilespmem:s31+$0xFFFFFFF0];
	v53 =	vsub.f32 $0.0e+00, v47;
	v44 =	vmul.f32 $1.442695020e+00, v44;
	v34 =	vpop (erf);
	(erf) = vpow2.f32 v43  }
0x13b: {  	v59 =	vld [tilespmem:s31+$0x10];
	v11 =	vmul.f32 $1.442695020e+00, v12;
	v45 =	vmul.f32 $1.600000000e+02, v34  }
0x13c: {  	v60 =	vld [tilespmem:s31+$0x30];
	v54 =	vmul.f32 $1.442695020e+00, v53;
	(erf) = vpow2.f32 v44  }
0x13d: {  	v61 =	vld [tilespmem:s31+$0x50];
	v34 =	vtrunc.f32 v45;
	(erf) = vpow2.f32 v11  }
0x13e: {  	[tilespmem:v27+s16+$0x0] =	vst.idx.add.s32.msk $0xffff, v15;
	v2 =	vand.u32 $0xFFFFFFF0, v2;
	v34 =	vcvt.f32.s32 v34;
	(erf) = vpow2.f32 v54;
	v12 =	vpop (erf)  }
0x13f: {  	[tilespmem:v26+s16+$0x0] =	vst.idx.add.s32.msk $0xffff, v14;
	v15 =	vmul.f32 $1.600000000e+02, v41;
	v2 =	vadd.s32 v1, v2;
	v12 =	vadd.f32 $1.000000000e+00, v12;
	v11 =	vpop (erf)  }
0x140: {  	[tilespmem:v27+s18+$0x0] =	vst.idx.add.f32.msk $0xffff, v8;
	v51 =	vtrunc.f32 v38;
	v34 =	vand.u32 $0xFFFFFFF0, v34;
	v8 =	vadd.f32 $1.000000000e+00, v11;
	v14 =	vpop (erf)  }
0x141: {  	[tilespmem:v26+s18+$0x0] =	vst.idx.add.f32.msk $0xffff, v6;
	(erf) = vrcp.f32 v12;
	v6 =	vadd.f32 $1.000000000e+00, v14;
	v14 =	vcvt.f32.s32 v52  }
0x142: {  	[tilespmem:v25+s16+$0x0] =	vst.idx.add.s32.msk $0xffff, v13;
	v48 =	vadd.s32 $0x10000, v48;
	v49 =	vadd.s32 v1, v34;
	v12 =	vcvt.f32.s32 v51  }
0x143: {  	[tilespmem:v24+s16+$0x0] =	vst.idx.add.s32.msk $0xffff, v5;
	v11 =	vtrunc.f32 v4;
	v13 =	vpop (erf);
	(erf) = vrcp.f32 v8;
	v14 =	vand.u32 $0xFFFFFFF0, v14  }
0x144: {  	[tilespmem:v25+s18+$0x0] =	vst.idx.add.f32.msk $0xffff, v7;
	v11 =	vcvt.f32.s32 v11;
	v7 =	vadd.f32 $1.000000000e+00, v13;
	v12 =	vand.u32 $0xFFFFFFF0, v12  }
0x145: {  	[tilespmem:v24+s18+$0x0] =	vst.idx.add.f32.msk $0xffff, v3;
	v13 =	vcvt.f32.s32 v16;
	v16 =	vpop (erf);
	(erf) = vrcp.f32 v6;
	v12 =	vadd.s32 v1, v12  }
0x146: {  	[tilespmem:v2+s16+$0x0] =	vst.idx.add.s32.msk $0xffff, v9;
	v8 =	vmul.f32 $1.600000000e+02, v42;
	v3 =	vadd.f32 $1.000000000e+00, v16;
	v5 =	vadd.s32 v1, v14;
	v14 =	vpop (erf)  }
0x147: {  	[tilespmem:v2+s18+$0x0] =	vst.idx.add.f32.msk $0xffff, v23;
	v6 =	vtrunc.f32 v15;
	(erf) = vrcp.f32 v7;
	v13 =	vand.u32 $0xFFFFFFF0, v13;
	v9 =	vpop (erf)  }
0x148: {  	[tilespmem:v49+s16+$0x0] =	vst.idx.add.s32.msk $0xffff, v48;
	v2 =	vcvt.f32.s32 v6;
	(erf) = vrcp.f32 v3;
	v6 =	vadd.f32 $1.000000000e+00, v9  }
0x149: {  	[tilespmem:v49+s18+$0x0] =	vst.idx.add.f32.msk $0xffff, v45;
	v13 =	vadd.s32 v1, v13;
	v14 =	vadd.f32 $1.000000000e+00, v14  }
0x14a: {  	v7 =	vtrunc.f32 v8;
	v3 =	vand.u32 $0xFFFFFFF0, v11;
	[tilespmem:v12+s16+$0x0] =	vst.idx.add.s32.msk $0xffff, v10;
	v9 =	vpop (erf)  }
0x14b: {  	v3 =	vadd.s32 v1, v3;
	(erf) = vrcp.f32 v14;
	[tilespmem:v5+s16+$0x0] =	vst.idx.add.s32.msk $0xffff, v22;
	v9 =	vmul.f32 $1.600000000e+02, v9  }
0x14c: {  	v7 =	vcvt.f32.s32 v7;
	v2 =	vand.u32 $0xFFFFFFF0, v2;
	[tilespmem:v12+s18+$0x0] =	vst.idx.add.f32.msk $0xffff, v38;
	(erf) = vrcp.f32 v6;
	v6 =	vpop (erf)  }
0x14d: {  	v2 =	vadd.s32 v1, v2;
	[tilespmem:v5+s18+$0x0] =	vst.idx.add.f32.msk $0xffff, v0;
	v10 =	vtrunc.f32 v9;
	v6 =	vmul.f32 $1.600000000e+02, v6  }
0x14e: {  	v0 =	vand.u32 $0xFFFFFFF0, v7;
	[tilespmem:v13+s16+$0x0] =	vst.idx.add.s32.msk $0xffff, v21;
	v5 =	vpop (erf);
	v7 =	vcvt.f32.s32 v10  }
0x14f: {  	v0 =	vadd.s32 v1, v0;
	[tilespmem:v13+s18+$0x0] =	vst.idx.add.f32.msk $0xffff, v17;
	v5 =	vmul.f32 $1.600000000e+02, v5;
	v10 =	vtrunc.f32 v6  }
0x150: {  	[tilespmem:v3+s16+$0x0] =	vst.idx.add.s32.msk $0xffff, v20;
	v11 =	vpop (erf);
	v10 =	vcvt.f32.s32 v10;
	v7 =	vand.u32 $0xFFFFFFF0, v7  }
0x151: {  	[tilespmem:v3+s18+$0x0] =	vst.idx.add.f32.msk $0xffff, v4;
	v11 =	vmul.f32 $1.600000000e+02, v11;
	v4 =	vpop (erf);
	v12 =	vtrunc.f32 v5;
	v3 =	vadd.s32 v1, v7  }
0x152: {  	[tilespmem:v2+s16+$0x0] =	vst.idx.add.s32.msk $0xffff, v19;
	v4 =	vmul.f32 $1.600000000e+02, v4;
	v7 =	vcvt.f32.s32 v12;
	v10 =	vand.u32 $0xFFFFFFF0, v10  }
0x153: {  	[tilespmem:v2+s18+$0x0] =	vst.idx.add.f32.msk $0xffff, v15;
	v12 =	vtrunc.f32 v11;
	v2 =	vadd.s32 v1, v10  }
0x154: {  	[tilespmem:v0+s16+$0x0] =	vst.idx.add.s32.msk $0xffff, v18;
	v13 =	vpop (erf);
	v12 =	vcvt.f32.s32 v12;
	v14 =	vtrunc.f32 v4;
	v7 =	vand.u32 $0xFFFFFFF0, v7  }
0x155: {  	[tilespmem:v0+s18+$0x0] =	vst.idx.add.f32.msk $0xffff, v8;
	v10 =	vadd.s32 $0x10000, v37;
	v13 =	vmul.f32 $1.600000000e+02, v13;
	v0 =	vadd.s32 v1, v7  }
0x156: {  	v8 =	vpop (erf);
	v14 =	vcvt.f32.s32 v14;
	v7 =	vadd.s32 $0x10000, v36;
	v12 =	vand.u32 $0xFFFFFFF0, v12;
	[tilespmem:v3+s16+$0x0] =	vst.idx.add.s32.msk $0xffff, v10  }
0x157: {  	v8 =	vmul.f32 $1.600000000e+02, v8;
	v12 =	vadd.s32 v1, v12;
	v10 =	vtrunc.f32 v13;
	[tilespmem:v3+s18+$0x0] =	vst.idx.add.f32.msk $0xffff, v9  }
0x158: {  	v3 =	vcvt.f32.s32 v10;
	v9 =	vand.u32 $0xFFFFFFF0, v14;
	[tilespmem:v2+s16+$0x0] =	vst.idx.add.s32.msk $0xffff, v7  }
0x159: {  	v10 =	vtrunc.f32 v8;
	v7 =	vadd.s32 $0x10000, v35;
	v9 =	vadd.s32 v1, v9;
	[tilespmem:v2+s18+$0x0] =	vst.idx.add.f32.msk $0xffff, v6  }
0x15a: {  	v2 =	vcvt.f32.s32 v10;
	v3 =	vand.u32 $0xFFFFFFF0, v3;
	[tilespmem:v0+s16+$0x0] =	vst.idx.add.s32.msk $0xffff, v7  }
0x15b: {  	v6 =	vadd.s32 $0x10000, v57;
	v3 =	vadd.s32 v1, v3;
	[tilespmem:v0+s18+$0x0] =	vst.idx.add.f32.msk $0xffff, v5  }
0x15c: {  	[tilespmem:v12+s16+$0x0] =	vst.idx.add.s32.msk $0xffff, v6;
	v0 =	vand.u32 $0xFFFFFFF0, v2  }
0x15d: {  	v2 =	vadd.s32 $0x10000, v59;
	[tilespmem:v12+s18+$0x0] =	vst.idx.add.f32.msk $0xffff, v11;
	v0 =	vadd.s32 v1, v0  }
0x15e: {  	[tilespmem:v9+s16+$0x0] =	vst.idx.add.s32.msk $0xffff, v2  }
0x15f: {  	v2 =	vadd.s32 $0x10000, v60;
	[tilespmem:v9+s18+$0x0] =	vst.idx.add.f32.msk $0xffff, v4  }
0x160: {  	s31 =	sshll.u32 s30, $0xF;
	p0 =	seq.s32 s30, $0xF;
	[tilespmem:v3+s16+$0x0] =	vst.idx.add.s32.msk $0xffff, v2  }
0x161: {  	s0 =	sadd.s32 @!p0 s31, s11;
	v2 =	vadd.s32 $0x10000, v61;
	[tilespmem:v3+s18+$0x0] =	vst.idx.add.f32.msk $0xffff, v13  }
0x162: {  	s0 =	sshrl.u32 @!p0 s0, $0x3;
	[tilespmem:v0+s16+$0x0] =	vst.idx.add.s32.msk $0xffff, v2  }
0x163: {  	s5 =	simm.s32 @!p0 $0x0;
	s4 =	sadd.s32 @!p0 s1, s0;
	[tilespmem:v0+s18+$0x0] =	vst.idx.add.f32.msk $0xffff, v8  }
0x164: {  	[tilespmem:s5], [sflag:$0x1] =	stream.linear.gather @!p0 [hbm4b:s4+s5], $0x4000, $0x38;
	[tilespmem:$0x10300] =	vst v63  }
0x165: {  	s0 =	sadd.s32 @!p0 s2, s0;
	s4 =	simm.s32 @!p0 $0x8000  }
0x166: {  	[tilespmem:s4], [sflag:$0x2] =	stream.linear.gather @!p0 [hbm4b:s0+s5], $0x4000, $0x38;
	[tilespmem:$0x10300] =	vst v63  }
0x167: {  	_ =	swait.ge [sflag:s24], $0x4000  }
0x168: {  	[sflag:s24] =	ssyncset.done $0x0  }
0x169: {  	[sflag:s24] =	ssyncadd.s32 $0xFFFFC000  }
0x16a: {  	_ =	swait.ge [sflag:s25], $0x4000  }
0x16b: {  	[sflag:s25] =	ssyncset.done $0x0  }
0x16c: {  	s19 =	simm.s32 $0x0;
	[sflag:s25] =	ssyncadd.s32 $0xFFFFC000  }
0x16d: {  	v0 =	vld [tilespmem:s19+$0x40E0];
	_ =	sdelay $0x2  }
0x16e: {  	v2 =	vld [tilespmem:s19+$0x4000]  }
0x16f: {  	v3 =	vld [tilespmem:s19+$0x4020]  }
0x170: {  	v4 =	vld [tilespmem:s19+$0x4040];
	v0 =	vsub.f32 $0.0e+00, v0;
	_ =	sdelay $0x1  }
0x171: {  	v6 =	vld [tilespmem:s19+$0x4080];
	v0 =	vmul.f32 $1.442695020e+00, v0  }
0x172: {  	v5 =	vld [tilespmem:s19+$0x4060];
	v2 =	vsub.f32 $0.0e+00, v2  }
0x173: {  	v3 =	vsub.f32 $0.0e+00, v3;
	(erf) = vpow2.f32 v0  }
0x174: {  	v4 =	vsub.f32 $0.0e+00, v4;
	v2 =	vmul.f32 $1.442695020e+00, v2;
	v0 =	vld [tilespmem:s19+$0x40A0]  }
0x175: {  	v3 =	vmul.f32 $1.442695020e+00, v3  }
0x176: {  	(erf) = vpow2.f32 v2;
	v2 =	vmul.f32 $1.442695020e+00, v4;
	v4 =	vsub.f32 $0.0e+00, v6  }
0x177: {  	v7 =	vld [tilespmem:s19+$0x40C0];
	v5 =	vsub.f32 $0.0e+00, v5  }
0x178: {  	(erf) = vpow2.f32 v3;
	v3 =	vmul.f32 $1.442695020e+00, v4  }
0x179: {  	v5 =	vmul.f32 $1.442695020e+00, v5;
	v0 =	vsub.f32 $0.0e+00, v0  }
0x17a: {  	(erf) = vpow2.f32 v2  }
0x17b: {  	(erf) = vpow2.f32 v5;
	v0 =	vmul.f32 $1.442695020e+00, v0  }
0x17c: {  	v4 =	vsub.f32 $0.0e+00, v7;
	(erf) = vpow2.f32 v3;
	v3 =	vpop (erf)  }
0x17d: {  	(erf) = vpow2.f32 v0;
	v0 =	vadd.f32 $1.000000000e+00, v3  }
0x17e: {  	v2 =	vmul.f32 $1.442695020e+00, v4;
	_ =	sdelay $0x1  }
0x17f: {  	(erf) = vpow2.f32 v2  }
0x180: {  	(erf) = vrcp.f32 v0;
	v0 =	vpop (erf)  }
0x181: {  	v0 =	vadd.f32 $1.000000000e+00, v0  }
0x182: {  	v2 =	vpop (erf)  }
0x183: {  	v2 =	vadd.f32 $1.000000000e+00, v2;
	_ =	sdelay $0x1  }
0x184: {  	(erf) = vrcp.f32 v0;
	v0 =	vpop (erf)  }
0x185: {  	v3 =	vpop (erf);
	v0 =	vadd.f32 $1.000000000e+00, v0  }
0x186: {  	(erf) = vrcp.f32 v2;
	v2 =	vpop (erf)  }
0x187: {  	v4 =	vpop (erf)  }
0x188: {  	v5 =	vpop (erf)  }
0x189: {  	v3 =	vadd.f32 $1.000000000e+00, v3;
	(erf) = vrcp.f32 v0;
	v2 =	vadd.f32 $1.000000000e+00, v2;
	v0 =	vpop (erf)  }
0x18a: {  	v0 =	vmul.f32 $1.600000000e+02, v0  }
0x18b: {  	(erf) = vrcp.f32 v3  }
0x18c: {  	v3 =	vtrunc.f32 v0  }
0x18d: {  	(erf) = vrcp.f32 v2;
	v2 =	vpop (erf);
	v3 =	vcvt.f32.s32 v3  }
0x18e: {  	v2 =	vmul.f32 $1.600000000e+02, v2  }
0x18f: {  	v7 =	vld [tilespmem:s19+$0xC0E0];
	v6 =	vpop (erf);
	v3 =	vand.u32 $0xFFFFFFF0, v3  }
0x190: {  	v8 =	vld [tilespmem:s19+$0xC000];
	v9 =	vtrunc.f32 v2;
	v6 =	vmul.f32 $1.600000000e+02, v6;
	v3 =	vor.u32 v63, v3  }
0x191: {  	v10 =	vld [tilespmem:s19+$0xC020];
	v9 =	vcvt.f32.s32 v9  }
0x192: {  	v11 =	vld [tilespmem:s19+$0xC040];
	v4 =	vadd.f32 $1.000000000e+00, v4;
	v13 =	vpop (erf);
	v12 =	vtrunc.f32 v6  }
0x193: {  	v14 =	vld [tilespmem:s19+$0xC060];
	v13 =	vmul.f32 $1.600000000e+02, v13;
	v9 =	vand.u32 $0xFFFFFFF0, v9;
	v12 =	vcvt.f32.s32 v12  }
0x194: {  	v15 =	vld [tilespmem:s19+$0xC080];
	v7 =	vadd.s32 $0x10000, v7;
	v16 =	vpop (erf);
	v9 =	vor.u32 v63, v9  }
0x195: {  	v16 =	vmul.f32 $1.600000000e+02, v16;
	v17 =	vtrunc.f32 v13;
	v12 =	vand.u32 $0xFFFFFFF0, v12;
	[tilespmem:v3+s16+$0x0] =	vst.idx.add.s32.msk $0xffff, v7  }
0x196: {  	(erf) = vrcp.f32 v4;
	v4 =	vpop (erf);
	v7 =	vor.u32 v63, v12;
	v12 =	vcvt.f32.s32 v17;
	v17 =	vld [tilespmem:s19+$0xC0A0]  }
0x197: {  	[tilespmem:v3+s18+$0x0] =	vst.idx.add.f32.msk $0xffff, v0;
	v0 =	vmul.f32 $1.600000000e+02, v4;
	v3 =	vtrunc.f32 v16  }
0x198: {  	v8 =	vadd.s32 $0x10000, v8;
	v4 =	vld [tilespmem:s19+$0x40F0];
	v3 =	vcvt.f32.s32 v3;
	v12 =	vand.u32 $0xFFFFFFF0, v12  }
0x199: {  	v10 =	vadd.s32 $0x10000, v10;
	[tilespmem:v9+s16+$0x0] =	vst.idx.add.s32.msk $0xffff, v8;
	v18 =	vtrunc.f32 v0;
	v8 =	vor.u32 v63, v12  }
0x19a: {  	v5 =	vadd.f32 $1.000000000e+00, v5;
	[tilespmem:v9+s18+$0x0] =	vst.idx.add.f32.msk $0xffff, v2;
	v12 =	vcvt.f32.s32 v18;
	v3 =	vand.u32 $0xFFFFFFF0, v3  }
0x19b: {  	v2 =	vor.u32 v63, v3;
	[tilespmem:v7+s16+$0x0] =	vst.idx.add.s32.msk $0xffff, v10  }
0x19c: {  	(erf) = vrcp.f32 v5;
	v3 =	vand.u32 $0xFFFFFFF0, v12;
	[tilespmem:v7+s18+$0x0] =	vst.idx.add.f32.msk $0xffff, v6  }
0x19d: {  	v5 =	vadd.s32 $0x10000, v11;
	v6 =	vld [tilespmem:s19+$0x4010];
	v4 =	vsub.f32 $0.0e+00, v4;
	v3 =	vor.u32 v63, v3  }
0x19e: {  	[tilespmem:v8+s16+$0x0] =	vst.idx.add.s32.msk $0xffff, v5  }
0x19f: {  	v5 =	vadd.s32 $0x10000, v14;
	v4 =	vmul.f32 $1.442695020e+00, v4;
	[tilespmem:v8+s18+$0x0] =	vst.idx.add.f32.msk $0xffff, v13  }
0x1a0: {  	v7 =	vpop (erf);
	[tilespmem:v2+s16+$0x0] =	vst.idx.add.s32.msk $0xffff, v5  }
0x1a1: {  	v7 =	vmul.f32 $1.600000000e+02, v7;
	(erf) = vpow2.f32 v4;
	v4 =	vadd.s32 $0x10000, v15;
	[tilespmem:v2+s18+$0x0] =	vst.idx.add.f32.msk $0xffff, v16  }
0x1a2: {  	[tilespmem:v3+s16+$0x0] =	vst.idx.add.s32.msk $0xffff, v4  }
0x1a3: {  	v2 =	vtrunc.f32 v7;
	v4 =	vld [tilespmem:s19+$0x4050]  }
0x1a4: {  	v2 =	vcvt.f32.s32 v2;
	[tilespmem:v3+s18+$0x0] =	vst.idx.add.f32.msk $0xffff, v0  }
0x1a5: {  	v3 =	vld [tilespmem:s19+$0x4030]  }
0x1a6: {  	v5 =	vld [tilespmem:s19+$0x4070];
	v0 =	vpop (erf);
	v2 =	vand.u32 $0xFFFFFFF0, v2  }
0x1a7: {  	v11 =	vld [tilespmem:s19+$0xC0C0];
	v6 =	vsub.f32 $0.0e+00, v6;
	v0 =	vmul.f32 $1.600000000e+02, v0;
	v2 =	vor.u32 v63, v2  }
0x1a8: {  	s0 =	simm.s32 $0x100;
	v9 =	vld [tilespmem:s19+$0x4090]  }
0x1a9: {  	v10 =	vld [tilespmem:s0+$0x40E0];
	v12 =	vadd.s32 $0x10000, v17;
	v6 =	vmul.f32 $1.442695020e+00, v6;
	v8 =	vtrunc.f32 v0  }
0x1aa: {  	v14 =	vld [tilespmem:s0+$0x4000];
	v8 =	vcvt.f32.s32 v8;
	v4 =	vsub.f32 $0.0e+00, v4;
	v3 =	vsub.f32 $0.0e+00, v3;
	v13 =	vpop (erf)  }
0x1ab: {  	(erf) = vpow2.f32 v6;
	v6 =	vld [tilespmem:s0+$0x4020];
	v5 =	vsub.f32 $0.0e+00, v5;
	v13 =	vadd.f32 $1.000000000e+00, v13  }
0x1ac: {  	v8 =	vand.u32 $0xFFFFFFF0, v8;
	v4 =	vmul.f32 $1.442695020e+00, v4;
	[tilespmem:v2+s16+$0x0] =	vst.idx.add.s32.msk $0xffff, v12;
	v3 =	vmul.f32 $1.442695020e+00, v3  }
0x1ad: {  	v9 =	vsub.f32 $0.0e+00, v9;
	v5 =	vmul.f32 $1.442695020e+00, v5;
	[tilespmem:v2+s18+$0x0] =	vst.idx.add.f32.msk $0xffff, v7;
	(erf) = vrcp.f32 v13  }
0x1ae: {  	v2 =	vsub.f32 $0.0e+00, v10;
	v7 =	vld [tilespmem:s0+$0x4040];
	(erf) = vpow2.f32 v3;
	v3 =	vor.u32 v63, v8  }
0x1af: {  	v8 =	vmul.f32 $1.442695020e+00, v9;
	(erf) = vpow2.f32 v4;
	v4 =	vld [tilespmem:s0+$0x4060]  }
0x1b0: {  	v2 =	vmul.f32 $1.442695020e+00, v2;
	(erf) = vpow2.f32 v5;
	v5 =	vld [tilespmem:s0+$0x4080]  }
0x1b1: {  	v9 =	vsub.f32 $0.0e+00, v14;
	(erf) = vpow2.f32 v8;
	v8 =	vld [tilespmem:s0+$0x40A0]  }
0x1b2: {  	v6 =	vsub.f32 $0.0e+00, v6;
	(erf) = vpow2.f32 v2;
	v2 =	vadd.s32 $0x10000, v11  }
0x1b3: {  	v9 =	vmul.f32 $1.442695020e+00, v9;
	[tilespmem:v3+s16+$0x0] =	vst.idx.add.s32.msk $0xffff, v2;
	v2 =	vsub.f32 $0.0e+00, v7  }
0x1b4: {  	v6 =	vmul.f32 $1.442695020e+00, v6;
	[tilespmem:v3+s18+$0x0] =	vst.idx.add.f32.msk $0xffff, v0;
	v3 =	vsub.f32 $0.0e+00, v4  }
0x1b5: {  	v10 =	vld [tilespmem:s0+$0x40C0];
	(erf) = vpow2.f32 v9;
	v2 =	vmul.f32 $1.442695020e+00, v2;
	v5 =	vsub.f32 $0.0e+00, v5  }
0x1b6: {  	v0 =	vpop (erf);
	v3 =	vmul.f32 $1.442695020e+00, v3;
	v8 =	vsub.f32 $0.0e+00, v8  }
0x1b7: {  	v4 =	vld [tilespmem:s0+$0xC000];
	v7 =	vpop (erf);
	(erf) = vpow2.f32 v6;
	v5 =	vmul.f32 $1.442695020e+00, v5  }
0x1b8: {  	v12 =	vld [tilespmem:s0+$0xC060];
	v11 =	vmul.f32 $1.600000000e+02, v7;
	v7 =	vpop (erf);
	v8 =	vmul.f32 $1.442695020e+00, v8  }
0x1b9: {  	v6 =	vld [tilespmem:s0+$0xC020];
	(erf) = vpow2.f32 v2;
	v2 =	vpop (erf)  }
0x1ba: {  	v13 =	vld [tilespmem:s0+$0xC080];
	v10 =	vsub.f32 $0.0e+00, v10;
	(erf) = vpow2.f32 v3;
	v3 =	vpop (erf)  }
0x1bb: {  	v9 =	vld [tilespmem:s0+$0xC040];
	(erf) = vpow2.f32 v5;
	v15 =	vtrunc.f32 v11;
	v5 =	vpop (erf)  }
0x1bc: {  	v10 =	vmul.f32 $1.442695020e+00, v10;
	v14 =	vadd.s32 $0x10000, v4;
	v4 =	vld [tilespmem:s19+$0x40B0];
	(erf) = vpow2.f32 v8;
	v8 =	vpop (erf)  }
0x1bd: {  	v0 =	vadd.f32 $1.000000000e+00, v0;
	v16 =	vld [tilespmem:s19+$0x40D0];
	v8 =	vadd.f32 $1.000000000e+00, v8  }
0x1be: {  	(erf) = vpow2.f32 v10;
	v17 =	vadd.s32 $0x10000, v6;
	v6 =	vcvt.f32.s32 v15;
	v15 =	vpop (erf)  }
0x1bf: {  	v7 =	vadd.f32 $1.000000000e+00, v7;
	(erf) = vrcp.f32 v0;
	v15 =	vadd.f32 $1.000000000e+00, v15  }
0x1c0: {  	v10 =	vadd.s32 $0x10000, v9;
	v9 =	vadd.s32 $0x10000, v12;
	v0 =	vld [tilespmem:s0+$0xC0A0];
	(erf) = vrcp.f32 v8  }
0x1c1: {  	v6 =	vand.u32 $0xFFFFFFF0, v6;
	v4 =	vsub.f32 $0.0e+00, v4;
	(erf) = vrcp.f32 v15;
	v8 =	vpop (erf)  }
0x1c2: {  	v18 =	vld [tilespmem:s0+$0xC0C0];
	v12 =	vadd.f32 $1.000000000e+00, v8;
	v8 =	vadd.s32 $0x10000, v13;
	v13 =	vsub.f32 $0.0e+00, v16  }
0x1c3: {  	v4 =	vmul.f32 $1.442695020e+00, v4;
	(erf) = vrcp.f32 v7  }
0x1c4: {  	v7 =	vpop (erf);
	(erf) = vrcp.f32 v12;
	v12 =	vadd.f32 $1.000000000e+00, v2;
	v2 =	vmul.f32 $1.442695020e+00, v13  }
0x1c5: {  	v21 =	vld [tilespmem:s19+$0xC050];
	v22 =	vadd.f32 $1.000000000e+00, v3;
	v15 =	vadd.s32 $0x10000, v0;
	v16 =	vadd.s32 v1, v6;
	v6 =	vpop (erf)  }
0x1c6: {  	v0 =	vld [tilespmem:s19+$0xC010];
	v7 =	vadd.f32 $1.000000000e+00, v7;
	v20 =	vpop (erf);
	v3 =	vadd.f32 $1.000000000e+00, v6;
	(erf) = vpow2.f32 v4  }
0x1c7: {  	v13 =	vadd.s32 $0x10000, v18;
	v18 =	vld [tilespmem:s19+$0xC030];
	v4 =	vpop (erf);
	(erf) = vpow2.f32 v2  }
0x1c8: {  	v6 =	vld [tilespmem:s19+$0xC070];
	v20 =	vadd.f32 $1.000000000e+00, v20;
	(erf) = vrcp.f32 v7;
	v2 =	vpop (erf)  }
0x1c9: {  	v19 =	vld [tilespmem:s19+$0xC0F0];
	v25 =	vadd.f32 $1.000000000e+00, v4;
	(erf) = vrcp.f32 v3;
	v23 =	vpop (erf)  }
0x1ca: {  	v24 =	vadd.f32 $1.000000000e+00, v5;
	v2 =	vadd.f32 $1.000000000e+00, v2;
	(erf) = vrcp.f32 v20;
	v3 =	vpop (erf)  }
0x1cb: {  	v4 =	vadd.s32 $0x10000, v0;
	(erf) = vrcp.f32 v25;
	v20 =	vmul.f32 $1.600000000e+02, v3  }
0x1cc: {  	v5 =	vadd.s32 $0x10000, v18;
	v0 =	vpop (erf);
	v3 =	vadd.s32 $0x10000, v21;
	(erf) = vrcp.f32 v2  }
0x1cd: {  	v2 =	vadd.s32 $0x10000, v6;
	v6 =	vmul.f32 $1.600000000e+02, v23;
	v18 =	vpop (erf);
	v21 =	vtrunc.f32 v20  }
0x1ce: {  	v19 =	vadd.s32 $0x10000, v19;
	v0 =	vmul.f32 $1.600000000e+02, v0;
	v25 =	vpop (erf);
	v21 =	vcvt.f32.s32 v21  }
0x1cf: {  	v26 =	vld [tilespmem:s0+$0xC0E0];
	(erf) = vrcp.f32 v12;
	v23 =	vmul.f32 $1.600000000e+02, v25;
	v12 =	vpop (erf)  }
0x1d0: {  	v25 =	vtrunc.f32 v0;
	(erf) = vrcp.f32 v22;
	v27 =	vpop (erf);
	v21 =	vand.u32 $0xFFFFFFF0, v21  }
0x1d1: {  	[tilespmem:v16+s16+$0x0] =	vst.idx.add.s32.msk $0xffff, v19;
	v25 =	vcvt.f32.s32 v25;
	v55 =	vtrunc.f32 v23;
	v19 =	vpop (erf);
	v21 =	vor.u32 v63, v21  }
0x1d2: {  	[tilespmem:v16+s18+$0x0] =	vst.idx.add.f32.msk $0xffff, v11;
	v12 =	vadd.f32 $1.000000000e+00, v12;
	(erf) = vrcp.f32 v24;
	v22 =	vcvt.f32.s32 v55;
	v11 =	vpop (erf)  }
0x1d3: {  	v56 =	vld [tilespmem:s19+$0xC0D0];
	v16 =	vmul.f32 $1.600000000e+02, v19;
	v19 =	vand.u32 $0xFFFFFFF0, v25;
	v25 =	vmul.f32 $1.600000000e+02, v11;
	v11 =	vpop (erf)  }
0x1d4: {  	v7 =	vld [tilespmem:s19+$0xC090];
	v19 =	vor.u32 v63, v19;
	v58 =	vmul.f32 $1.600000000e+02, v11;
	v11 =	vadd.s32 $0x10000, v26;
	v26 =	vpop (erf)  }
0x1d5: {  	v24 =	vld [tilespmem:s19+$0xC0B0];
	v22 =	vand.u32 $0xFFFFFFF0, v22;
	v57 =	vtrunc.f32 v16;
	v26 =	vmul.f32 $1.600000000e+02, v26  }
0x1d6: {  	v59 =	vtrunc.f32 v25;
	v22 =	vor.u32 v63, v22;
	v29 =	vcvt.f32.s32 v57;
	[tilespmem:v21+s16+$0x0] =	vst.idx.add.s32.msk $0xffff, v11  }
0x1d7: {  	v60 =	vtrunc.f32 v58;
	v11 =	vadd.f32 $1.000000000e+00, v27;
	v27 =	vpop (erf);
	v62 =	vtrunc.f32 v26;
	[tilespmem:v21+s18+$0x0] =	vst.idx.add.f32.msk $0xffff, v20  }
0x1d8: {  	v20 =	vmul.f32 $1.600000000e+02, v27;
	v21 =	vcvt.f32.s32 v59;
	v27 =	vand.u32 $0xFFFFFFF0, v29;
	v61 =	vld [tilespmem:s0+$0x40F0]  }
0x1d9: {  	v32 =	vcvt.f32.s32 v60;
	[tilespmem:v19+s16+$0x0] =	vst.idx.add.s32.msk $0xffff, v14;
	v31 =	vcvt.f32.s32 v62;
	v27 =	vor.u32 v63, v27  }
0x1da: {  	(erf) = vrcp.f32 v12;
	[tilespmem:v19+s18+$0x0] =	vst.idx.add.f32.msk $0xffff, v0;
	v0 =	vpop (erf);
	v14 =	vtrunc.f32 v20;
	v21 =	vand.u32 $0xFFFFFFF0, v21  }
0x1db: {  	[tilespmem:v22+s16+$0x0] =	vst.idx.add.s32.msk $0xffff, v17;
	v12 =	vmul.f32 $1.600000000e+02, v0;
	v0 =	vand.u32 $0xFFFFFFF0, v31;
	v21 =	vor.u32 v63, v21  }
0x1dc: {  	(erf) = vrcp.f32 v11;
	v17 =	vpop (erf);
	v19 =	vcvt.f32.s32 v14;
	[tilespmem:v22+s18+$0x0] =	vst.idx.add.f32.msk $0xffff, v23;
	v0 =	vor.u32 v63, v0  }
0x1dd: {  	v14 =	vand.u32 $0xFFFFFFF0, v32;
	v22 =	vld [tilespmem:s0+$0x4010];
	v11 =	vmul.f32 $1.600000000e+02, v17;
	v23 =	vsub.f32 $0.0e+00, v61  }
0x1de: {  	v17 =	vtrunc.f32 v6;
	v32 =	vor.u32 v63, v14;
	v14 =	vmul.f32 $1.600000000e+02, v18;
	[tilespmem:v27+s16+$0x0] =	vst.idx.add.s32.msk $0xffff, v10  }
0x1df: {  	v7 =	vadd.s32 $0x10000, v7;
	v18 =	vpop (erf);
	v17 =	vcvt.f32.s32 v17;
	[tilespmem:v27+s18+$0x0] =	vst.idx.add.f32.msk $0xffff, v16;
	v16 =	vmul.f32 $1.442695020e+00, v23  }
0x1e0: {  	v10 =	vmul.f32 $1.600000000e+02, v18;
	v18 =	vand.u32 $0xFFFFFFF0, v19;
	v19 =	vtrunc.f32 v14;
	[tilespmem:v21+s16+$0x0] =	vst.idx.add.s32.msk $0xffff, v9  }
0x1e1: {  	v18 =	vor.u32 v63, v18;
	v19 =	vcvt.f32.s32 v19;
	[tilespmem:v0+s16+$0x0] =	vst.idx.add.s32.msk $0xffff, v15;
	(erf) = vpow2.f32 v16  }
0x1e2: {  	v23 =	vtrunc.f32 v12;
	[tilespmem:v21+s18+$0x0] =	vst.idx.add.f32.msk $0xffff, v25;
	v21 =	vsub.f32 $0.0e+00, v22;
	v22 =	vtrunc.f32 v10  }
0x1e3: {  	v9 =	vadd.s32 $0x10000, v24;
	v24 =	vld [tilespmem:s0+$0x4050];
	v23 =	vcvt.f32.s32 v23;
	v16 =	vtrunc.f32 v11  }
0x1e4: {  	[tilespmem:v0+s18+$0x0] =	vst.idx.add.f32.msk $0xffff, v26;
	v0 =	vand.u32 $0xFFFFFFF0, v19;
	v21 =	vmul.f32 $1.442695020e+00, v21;
	v15 =	vcvt.f32.s32 v16  }
0x1e5: {  	[tilespmem:v32+s16+$0x0] =	vst.idx.add.s32.msk $0xffff, v8;
	v22 =	vcvt.f32.s32 v22;
	v16 =	vand.u32 $0xFFFFFFF0, v17;
	v17 =	vand.u32 $0xFFFFFFF0, v23;
	v19 =	vpop (erf)  }
0x1e6: {  	[tilespmem:v18+s16+$0x0] =	vst.idx.add.s32.msk $0xffff, v13;
	v13 =	vpop (erf);
	(erf) = vpow2.f32 v21;
	v21 =	vand.u32 $0xFFFFFFF0, v15;
	v15 =	vmul.f32 $1.600000000e+02, v19  }
0x1e7: {  	[tilespmem:v18+s18+$0x0] =	vst.idx.add.f32.msk $0xffff, v20;
	v20 =	vadd.s32 v1, v16;
	v13 =	vmul.f32 $1.600000000e+02, v13;
	v16 =	vand.u32 $0xFFFFFFF0, v22  }
0x1e8: {  	v25 =	vld [tilespmem:s0+$0x4030];
	v19 =	vadd.s32 v1, v0;
	v18 =	vadd.s32 v1, v17;
	v0 =	vtrunc.f32 v15  }
0x1e9: {  	[tilespmem:v32+s18+$0x0] =	vst.idx.add.f32.msk $0xffff, v58;
	v17 =	vadd.s32 v1, v21;
	v23 =	vtrunc.f32 v13;
	v21 =	vcvt.f32.s32 v0  }
0x1ea: {  	s4 =	simm.s32 $0x8;
	s19 =	simm.s32 $0x800;
	v8 =	vadd.s32 $0x10000, v56;
	v26 =	vld [tilespmem:s0+$0x4070];
	v16 =	vadd.s32 v1, v16;
	v23 =	vcvt.f32.s32 v23;
	v22 =	vpop (erf)  }
.LBB2_5:
0x1eb: {  	s5 =	sshra.s32 s19, $0x2;
	v0 =	vld [tilespmem:s0+$0x4090];
	v27 =	vadd.f32 $1.000000000e+00, v22;
	v21 =	vand.u32 $0xFFFFFFF0, v21  }
0x1ec: {  	v28 =	vld [tilespmem:s5+$0x40E0];
	v22 =	vadd.s32 v1, v21;
	v21 =	vand.u32 $0xFFFFFFF0, v23  }
0x1ed: {  	s4 =	sadd.s32 $0x8, s4;
	v23 =	vld [tilespmem:s5+$0x4000];
	v25 =	vsub.f32 $0.0e+00, v25;
	(erf) = vrcp.f32 v27;
	v21 =	vadd.s32 v1, v21  }
0x1ee: {  	p1 =	slt.u32 s4, $0x1F8;
	v27 =	vld [tilespmem:s5+$0x4020];
	v24 =	vsub.f32 $0.0e+00, v24  }
0x1ef: {  	v29 =	vld [tilespmem:s5+$0x4040];
	v25 =	vmul.f32 $1.442695020e+00, v25;
	v26 =	vsub.f32 $0.0e+00, v26;
	v30 =	vpop (erf)  }
0x1f0: {  	v31 =	vld [tilespmem:s5+$0x4060];
	v30 =	vadd.f32 $1.000000000e+00, v30;
	v24 =	vmul.f32 $1.442695020e+00, v24;
	v0 =	vsub.f32 $0.0e+00, v0  }
0x1f1: {  	v32 =	vld [tilespmem:s5+$0x4080];
	v28 =	vsub.f32 $0.0e+00, v28;
	v26 =	vmul.f32 $1.442695020e+00, v26;
	(erf) = vpow2.f32 v25  }
0x1f2: {  	v23 =	vsub.f32 $0.0e+00, v23;
	v25 =	vld [tilespmem:s5+$0x40A0];
	v0 =	vmul.f32 $1.442695020e+00, v0;
	(erf) = vpow2.f32 v24  }
0x1f3: {  	v24 =	vsub.f32 $0.0e+00, v27;
	v27 =	vld [tilespmem:s5+$0x40C0];
	v28 =	vmul.f32 $1.442695020e+00, v28;
	(erf) = vpow2.f32 v26  }
0x1f4: {  	v26 =	vld [tilespmem:s5+$0xC000];
	v35 =	vmul.f32 $1.442695020e+00, v23;
	v29 =	vsub.f32 $0.0e+00, v29;
	(erf) = vpow2.f32 v0  }
0x1f5: {  	v0 =	vld [tilespmem:s5+$0xC020];
	v24 =	vmul.f32 $1.442695020e+00, v24;
	v31 =	vsub.f32 $0.0e+00, v31;
	(erf) = vpow2.f32 v28  }
0x1f6: {  	v33 =	vld [tilespmem:s5+$0xC040];
	v34 =	vmul.f32 $1.442695020e+00, v29;
	v28 =	vsub.f32 $0.0e+00, v32;
	(erf) = vpow2.f32 v35;
	v23 =	vpop (erf)  }
0x1f7: {  	v32 =	vld [tilespmem:s5+$0xC060];
	v31 =	vmul.f32 $1.442695020e+00, v31;
	v25 =	vsub.f32 $0.0e+00, v25;
	v35 =	vmul.f32 $1.600000000e+02, v23  }
0x1f8: {  	v23 =	vld [tilespmem:s5+$0xC080];
	v36 =	vmul.f32 $1.442695020e+00, v28;
	v27 =	vsub.f32 $0.0e+00, v27;
	(erf) = vpow2.f32 v24  }
0x1f9: {  	v29 =	vadd.s32 $0x10000, v26;
	v24 =	vld [tilespmem:s5+$0xC0A0];
	v37 =	vmul.f32 $1.442695020e+00, v25;
	v25 =	vtrunc.f32 v35  }
0x1fa: {  	v28 =	vadd.s32 $0x10000, v0;
	v0 =	vld [tilespmem:s5+$0xC0C0];
	v38 =	vmul.f32 $1.442695020e+00, v27;
	v25 =	vcvt.f32.s32 v25;
	v26 =	vpop (erf)  }
0x1fb: {  	v27 =	vadd.s32 $0x10000, v33;
	(erf) = vpow2.f32 v34;
	v33 =	vadd.f32 $1.000000000e+00, v26;
	v34 =	vld [tilespmem:s0+$0x40B0];
	v39 =	vpop (erf)  }
0x1fc: {  	v26 =	vadd.s32 $0x10000, v32;
	(erf) = vpow2.f32 v31;
	v31 =	vld [tilespmem:s0+$0xC0F0];
	v32 =	vand.u32 $0xFFFFFFF0, v25;
	v40 =	vpop (erf)  }
0x1fd: {  	v25 =	vadd.s32 $0x10000, v23;
	(erf) = vpow2.f32 v36;
	v36 =	vld [tilespmem:s0+$0x40D0];
	v32 =	vadd.s32 v1, v32;
	v41 =	vpop (erf)  }
0x1fe: {  	v39 =	vadd.f32 $1.000000000e+00, v39;
	v24 =	vadd.s32 $0x10000, v24;
	(erf) = vpow2.f32 v37;
	v37 =	vpop (erf);
	v42 =	vld [tilespmem:s0+$0xC010]  }
0x1ff: {  	v23 =	vadd.s32 $0x10000, v0;
	v0 =	vadd.f32 $1.000000000e+00, v37;
	v37 =	vpop (erf);
	(erf) = vpow2.f32 v38;
	v38 =	vld [tilespmem:s0+$0xC030]  }
0x200: {  	v37 =	vadd.f32 $1.000000000e+00, v37;
	v43 =	vld [tilespmem:s0+$0xC050];
	v34 =	vsub.f32 $0.0e+00, v34;
	(erf) = vrcp.f32 v30  }
0x201: {  	v40 =	vadd.f32 $1.000000000e+00, v40;
	v30 =	vpop (erf);
	(erf) = vrcp.f32 v0;
	v0 =	vld [tilespmem:s0+$0xC070];
	v31 =	vadd.s32 $0x10000, v31  }
0x202: {  	v44 =	vadd.f32 $1.000000000e+00, v30;
	(erf) = vrcp.f32 v37;
	v37 =	vsub.f32 $0.0e+00, v36;
	[tilespmem:v32+s16+$0x0] =	vst.idx.add.s32.msk $0xffff, v31  }
0x203: {  	v31 =	vadd.f32 $1.000000000e+00, v41;
	v34 =	vmul.f32 $1.442695020e+00, v34;
	[tilespmem:v32+s18+$0x0] =	vst.idx.add.f32.msk $0xffff, v35;
	(erf) = vrcp.f32 v33  }
0x204: {  	v32 =	vadd.s32 $0x10000, v42;
	(erf) = vrcp.f32 v44;
	v30 =	vpop (erf);
	v33 =	vld [tilespmem:s0+$0xC090];
	v35 =	vmul.f32 $1.442695020e+00, v37  }
0x205: {  	v37 =	vadd.s32 $0x10000, v38;
	v44 =	vadd.f32 $1.000000000e+00, v30;
	v36 =	vpop (erf);
	v38 =	vld [tilespmem:s0+$0xC0B0];
	(erf) = vpow2.f32 v34  }
0x206: {  	v41 =	vadd.s32 $0x10000, v43;
	v45 =	vadd.f32 $1.000000000e+00, v36;
	v36 =	vpop (erf);
	v42 =	vld [tilespmem:s0+$0xC0D0];
	(erf) = vpow2.f32 v35;
	s0 =	smov.u32 s5  }
0x207: {  	v0 =	vadd.s32 $0x10000, v0;
	v35 =	vadd.f32 $1.000000000e+00, v36;
	(erf) = vrcp.f32 v44;
	v30 =	vpop (erf);
	[tilespmem:v20+s16+$0x0] =	vst.idx.add.s32.msk $0xffff, v4  }
0x208: {  	v4 =	vmov v32;
	v30 =	vadd.f32 $1.000000000e+00, v30;
	(erf) = vrcp.f32 v45;
	v34 =	vpop (erf);
	[tilespmem:v20+s18+$0x0] =	vst.idx.add.f32.msk $0xffff, v6  }
0x209: {  	v20 =	vadd.f32 $1.000000000e+00, v34;
	(erf) = vrcp.f32 v35;
	v32 =	vadd.s32 $0x10000, v33;
	v6 =	vpop (erf);
	[tilespmem:v19+s16+$0x0] =	vst.idx.add.s32.msk $0xffff, v5  }
0x20a: {  	(erf) = vrcp.f32 v30;
	v5 =	vpop (erf);
	v6 =	vmul.f32 $1.600000000e+02, v6;
	v30 =	vadd.s32 $0x10000, v38;
	[tilespmem:v19+s18+$0x0] =	vst.idx.add.f32.msk $0xffff, v14  }
0x20b: {  	v14 =	vmul.f32 $1.600000000e+02, v5;
	v5 =	vpop (erf);
	(erf) = vrcp.f32 v20;
	v19 =	vadd.s32 $0x10000, v42;
	[tilespmem:v18+s16+$0x0] =	vst.idx.add.s32.msk $0xffff, v3  }
0x20c: {  	v20 =	vmul.f32 $1.600000000e+02, v5;
	v33 =	vpop (erf);
	(erf) = vrcp.f32 v39;
	[tilespmem:v18+s18+$0x0] =	vst.idx.add.f32.msk $0xffff, v12;
	v5 =	vmov v37  }
0x20d: {  	v3 =	vmov v41;
	v12 =	vtrunc.f32 v14;
	v18 =	vpop (erf);
	(erf) = vrcp.f32 v40;
	[tilespmem:v17+s16+$0x0] =	vst.idx.add.s32.msk $0xffff, v2  }
0x20e: {  	v2 =	vmov v0;
	v18 =	vmul.f32 $1.600000000e+02, v18;
	v12 =	vcvt.f32.s32 v12;
	v34 =	vpop (erf);
	[tilespmem:v17+s18+$0x0] =	vst.idx.add.f32.msk $0xffff, v11  }
0x20f: {  	v0 =	vtrunc.f32 v20;
	v11 =	vadd.f32 $1.000000000e+00, v34;
	(erf) = vrcp.f32 v31;
	v17 =	vpop (erf);
	[tilespmem:v16+s16+$0x0] =	vst.idx.add.s32.msk $0xffff, v7  }
0x210: {  	v0 =	vcvt.f32.s32 v0;
	v7 =	vtrunc.f32 v18;
	v31 =	vld [tilespmem:s0+$0xC0E0];
	v12 =	vand.u32 $0xFFFFFFF0, v12;
	v34 =	vpop (erf)  }
0x211: {  	v7 =	vcvt.f32.s32 v7;
	v34 =	vmul.f32 $1.600000000e+02, v34;
	v12 =	vor.u32 v63, v12;
	v35 =	vpop (erf);
	[tilespmem:v16+s18+$0x0] =	vst.idx.add.f32.msk $0xffff, v10  }
0x212: {  	v17 =	vadd.f32 $1.000000000e+00, v17;
	v0 =	vand.u32 $0xFFFFFFF0, v0;
	v16 =	vmul.f32 $1.600000000e+02, v35;
	v10 =	vpop (erf);
	[tilespmem:v22+s16+$0x0] =	vst.idx.add.s32.msk $0xffff, v9  }
0x213: {  	v7 =	vand.u32 $0xFFFFFFF0, v7;
	v9 =	vtrunc.f32 v34;
	v35 =	vmul.f32 $1.600000000e+02, v10;
	v10 =	vpop (erf);
	[tilespmem:v22+s18+$0x0] =	vst.idx.add.f32.msk $0xffff, v15  }
0x214: {  	v0 =	vor.u32 v63, v0;
	v15 =	vtrunc.f32 v16;
	v22 =	vmul.f32 $1.600000000e+02, v10;
	v10 =	vpop (erf);
	[tilespmem:v21+s16+$0x0] =	vst.idx.add.s32.msk $0xffff, v8  }
0x215: {  	v36 =	vtrunc.f32 v35;
	v37 =	vmul.f32 $1.600000000e+02, v10;
	v40 =	vadd.s32 $0x10000, v31;
	v10 =	vpop (erf);
	[tilespmem:v21+s18+$0x0] =	vst.idx.add.f32.msk $0xffff, v13  }
0x216: {  	v13 =	vor.u32 v63, v7;
	v21 =	vcvt.f32.s32 v9;
	v31 =	vtrunc.f32 v22;
	[tilespmem:v12+s16+$0x0] =	vst.idx.add.s32.msk $0xffff, v40;
	v38 =	vpop (erf)  }
0x217: {  	v8 =	vmovc v19;
	v15 =	vcvt.f32.s32 v15;
	v7 =	vmovc v32;
	v9 =	vmov v30;
	v39 =	vtrunc.f32 v37;
	[tilespmem:v12+s18+$0x0] =	vst.idx.add.f32.msk $0xffff, v14  }
0x218: {  	v12 =	vand.u32 $0xFFFFFFF0, v21;
	v14 =	vcvt.f32.s32 v36;
	v19 =	vcvt.f32.s32 v31;
	v21 =	vld [tilespmem:s0+$0x40F0];
	v30 =	vpop (erf)  }
0x219: {  	[tilespmem:v0+s16+$0x0] =	vst.idx.add.s32.msk $0xffff, v29;
	v29 =	vor.u32 v63, v12;
	v12 =	vand.u32 $0xFFFFFFF0, v15;
	v15 =	vcvt.f32.s32 v39  }
0x21a: {  	[tilespmem:v0+s18+$0x0] =	vst.idx.add.f32.msk $0xffff, v20;
	v0 =	vor.u32 v63, v12;
	v12 =	vand.u32 $0xFFFFFFF0, v14;
	v14 =	vand.u32 $0xFFFFFFF0, v19  }
0x21b: {  	[tilespmem:v13+s16+$0x0] =	vst.idx.add.s32.msk $0xffff, v28;
	v19 =	vor.u32 v63, v12;
	v20 =	vor.u32 v63, v14;
	v12 =	vand.u32 $0xFFFFFFF0, v15  }
0x21c: {  	v14 =	vmul.f32 $1.600000000e+02, v33;
	[tilespmem:v13+s18+$0x0] =	vst.idx.add.f32.msk $0xffff, v18;
	v13 =	vor.u32 v63, v12;
	(erf) = vrcp.f32 v11  }
0x21d: {  	v12 =	vmul.f32 $1.600000000e+02, v10;
	v15 =	vld [tilespmem:s0+$0x4010];
	v18 =	vsub.f32 $0.0e+00, v21;
	(erf) = vrcp.f32 v17  }
0x21e: {  	v11 =	vmul.f32 $1.600000000e+02, v38;
	v10 =	vmul.f32 $1.600000000e+02, v30;
	[tilespmem:v29+s16+$0x0] =	vst.idx.add.s32.msk $0xffff, v27  }
0x21f: {  	[tilespmem:v29+s18+$0x0] =	vst.idx.add.f32.msk $0xffff, v34;
	v17 =	vmul.f32 $1.442695020e+00, v18;
	v18 =	vtrunc.f32 v6  }
0x220: {  	v21 =	vtrunc.f32 v14;
	[tilespmem:v0+s16+$0x0] =	vst.idx.add.s32.msk $0xffff, v26;
	v26 =	vtrunc.f32 v12  }
0x221: {  	[tilespmem:v0+s18+$0x0] =	vst.idx.add.f32.msk $0xffff, v16;
	(erf) = vpow2.f32 v17;
	v0 =	vtrunc.f32 v11  }
0x222: {  	v16 =	vcvt.f32.s32 v18;
	v17 =	vtrunc.f32 v10;
	v15 =	vsub.f32 $0.0e+00, v15;
	[tilespmem:v19+s16+$0x0] =	vst.idx.add.s32.msk $0xffff, v25  }
0x223: {  	v18 =	vcvt.f32.s32 v21;
	v25 =	vcvt.f32.s32 v26;
	[tilespmem:v19+s18+$0x0] =	vst.idx.add.f32.msk $0xffff, v35  }
0x224: {  	v0 =	vcvt.f32.s32 v0;
	v16 =	vand.u32 $0xFFFFFFF0, v16;
	v15 =	vmul.f32 $1.442695020e+00, v15;
	[tilespmem:v20+s16+$0x0] =	vst.idx.add.s32.msk $0xffff, v24  }
0x225: {  	v17 =	vcvt.f32.s32 v17;
	v18 =	vand.u32 $0xFFFFFFF0, v18;
	v21 =	vand.u32 $0xFFFFFFF0, v25;
	[tilespmem:v20+s18+$0x0] =	vst.idx.add.f32.msk $0xffff, v22;
	v19 =	vpop (erf)  }
.Ltmp3:
0x226: {  	v0 =	vand.u32 $0xFFFFFFF0, v0;
	[tilespmem:v13+s16+$0x0] =	vst.idx.add.s32.msk $0xffff, v23;
	(erf) = vpow2.f32 v15;
	v15 =	vmul.f32 $1.600000000e+02, v19;
	v19 =	vpop (erf);
	(pc) =	sbr.rel @p1 .LBB2_5-.Ltmp3, $4  }
0x227: {  	v20 =	vadd.s32 v1, v16;
	v16 =	vand.u32 $0xFFFFFFF0, v17;
	[tilespmem:v13+s18+$0x0] =	vst.idx.add.f32.msk $0xffff, v37;
	v13 =	vmul.f32 $1.600000000e+02, v19  }
0x228: {  	v19 =	vadd.s32 v1, v18;
	v18 =	vadd.s32 v1, v21;
	v25 =	vld [tilespmem:s0+$0x4030];
	v21 =	vtrunc.f32 v15  }
0x229: {  	v17 =	vadd.s32 v1, v0;
	v24 =	vld [tilespmem:s0+$0x4050];
	v21 =	vcvt.f32.s32 v21;
	v0 =	vtrunc.f32 v13  }
0x22a: {  	s19 =	sadd.s32 $0x400, s19;
	v16 =	vadd.s32 v1, v16;
	v26 =	vld [tilespmem:s0+$0x4070];
	v22 =	vpop (erf);
	v23 =	vcvt.f32.s32 v0  }
0x22b: {  	v0 =	vadd.f32 $1.000000000e+00, v22;
	_ =	sdelay $0x1  }
0x22c: {  	(erf) = vrcp.f32 v0;
	v0 =	vsub.f32 $0.0e+00, v25;
	_ =	sdelay $0x1  }
0x22d: {  	v0 =	vmul.f32 $1.442695020e+00, v0;
	_ =	sdelay $0x1  }
0x22e: {  	(erf) = vpow2.f32 v0  }
0x22f: {  	v0 =	vld [tilespmem:s0+$0x4090]  }
0x230: {  	v27 =	vld [tilespmem:s0+$0x40B0]  }
0x231: {  	v53 =	vsub.f32 $0.0e+00, v24;
	_ =	sdelay $0x1  }
0x232: {  	v55 =	vsub.f32 $0.0e+00, v26;
	v22 =	vmul.f32 $1.442695020e+00, v53  }
0x233: {  	v28 =	vld [tilespmem:s0+$0x40D0];
	v54 =	vpop (erf);
	v0 =	vsub.f32 $0.0e+00, v0  }
0x234: {  	v27 =	vsub.f32 $0.0e+00, v27;
	v25 =	vmul.f32 $1.442695020e+00, v55;
	(erf) = vpow2.f32 v22;
	v56 =	vpop (erf)  }
0x235: {  	v26 =	vmul.f32 $1.600000000e+02, v56;
	v0 =	vmul.f32 $1.442695020e+00, v0  }
0x236: {  	v24 =	vadd.f32 $1.000000000e+00, v54;
	v27 =	vmul.f32 $1.442695020e+00, v27;
	(erf) = vpow2.f32 v25;
	v58 =	vpop (erf)  }
0x237: {  	v57 =	vtrunc.f32 v26;
	(erf) = vpow2.f32 v0;
	v0 =	vadd.f32 $1.000000000e+00, v58  }
0x238: {  	v60 =	vsub.f32 $0.0e+00, v28;
	v22 =	vcvt.f32.s32 v57;
	(erf) = vrcp.f32 v24  }
0x239: {  	v59 =	vld [tilespmem:s0+$0xC0F0];
	(erf) = vrcp.f32 v0  }
0x23a: {  	v61 =	vld [tilespmem:s0+$0xC030];
	v24 =	vmul.f32 $1.442695020e+00, v60;
	v22 =	vand.u32 $0xFFFFFFF0, v22;
	(erf) = vpow2.f32 v27  }
0x23b: {  	v62 =	vld [tilespmem:s0+$0xC050];
	v22 =	vadd.s32 v1, v22  }
0x23c: {  	v29 =	vld [tilespmem:s0+$0xC070];
	(erf) = vpow2.f32 v24  }
0x23d: {  	v37 =	vld [tilespmem:s0+$0xC090];
	v34 =	vpop (erf)  }
0x23e: {  	v38 =	vld [tilespmem:s0+$0xC0B0];
	v24 =	vadd.f32 $1.000000000e+00, v34  }
0x23f: {  	v31 =	vld [tilespmem:s0+$0xC0D0];
	v25 =	vadd.s32 $0x10000, v59;
	v35 =	vpop (erf)  }
0x240: {  	(erf) = vrcp.f32 v24;
	[tilespmem:v22+s16+$0x0] =	vst.idx.add.s32.msk $0xffff, v25;
	v25 =	vadd.f32 $1.000000000e+00, v35;
	v36 =	vpop (erf)  }
0x241: {  	[tilespmem:v20+s16+$0x0] =	vst.idx.add.s32.msk $0xffff, v4;
	v30 =	vpop (erf)  }
0x242: {  	[tilespmem:v22+s18+$0x0] =	vst.idx.add.f32.msk $0xffff, v26;
	v22 =	vadd.f32 $1.000000000e+00, v36;
	(erf) = vrcp.f32 v25;
	v32 =	vpop (erf)  }
0x243: {  	[tilespmem:v19+s16+$0x0] =	vst.idx.add.s32.msk $0xffff, v5;
	v39 =	vpop (erf)  }
0x244: {  	[tilespmem:v18+s16+$0x0] =	vst.idx.add.s32.msk $0xffff, v3;
	(erf) = vrcp.f32 v22;
	v4 =	vadd.f32 $1.000000000e+00, v39  }
0x245: {  	[tilespmem:v17+s16+$0x0] =	vst.idx.add.s32.msk $0xffff, v2;
	v41 =	vmul.f32 $1.600000000e+02, v30;
	v40 =	vpop (erf)  }
0x246: {  	[tilespmem:v16+s16+$0x0] =	vst.idx.add.s32.msk $0xffff, v7;
	v3 =	vmul.f32 $1.600000000e+02, v32;
	v5 =	vadd.f32 $1.000000000e+00, v40;
	(erf) = vrcp.f32 v4  }
0x247: {  	[tilespmem:v20+s18+$0x0] =	vst.idx.add.f32.msk $0xffff, v6;
	v44 =	vand.u32 $0xFFFFFFF0, v23;
	v43 =	vtrunc.f32 v41  }
0x248: {  	[tilespmem:v18+s18+$0x0] =	vst.idx.add.f32.msk $0xffff, v12;
	v12 =	vadd.s32 v1, v44;
	v45 =	vtrunc.f32 v3;
	(erf) = vrcp.f32 v5  }
0x249: {  	v42 =	vand.u32 $0xFFFFFFF0, v21;
	[tilespmem:v17+s18+$0x0] =	vst.idx.add.f32.msk $0xffff, v11;
	v2 =	vpop (erf);
	v11 =	vcvt.f32.s32 v45;
	v5 =	vcvt.f32.s32 v43  }
0x24a: {  	[tilespmem:v19+s18+$0x0] =	vst.idx.add.f32.msk $0xffff, v14;
	v4 =	vadd.s32 v1, v42;
	v2 =	vmul.f32 $1.600000000e+02, v2  }
0x24b: {  	[tilespmem:v16+s18+$0x0] =	vst.idx.add.f32.msk $0xffff, v10;
	v11 =	vand.u32 $0xFFFFFFF0, v11;
	v46 =	vpop (erf);
	v5 =	vand.u32 $0xFFFFFFF0, v5  }
0x24c: {  	v0 =	vld [tilespmem:s0+$0xC010];
	v47 =	vtrunc.f32 v2;
	v11 =	vadd.s32 v1, v11;
	v7 =	vmul.f32 $1.600000000e+02, v46  }
0x24d: {  	[tilespmem:v12+s16+$0x0] =	vst.idx.add.s32.msk $0xffff, v8;
	v5 =	vadd.s32 v1, v5;
	v10 =	vcvt.f32.s32 v47;
	v48 =	vpop (erf)  }
0x24e: {  	[tilespmem:v12+s18+$0x0] =	vst.idx.add.f32.msk $0xffff, v13;
	v49 =	vmul.f32 $1.600000000e+02, v48;
	v50 =	vtrunc.f32 v7  }
0x24f: {  	v55 =	vadd.s32 $0x10000, v61;
	[tilespmem:v4+s16+$0x0] =	vst.idx.add.s32.msk $0xffff, v9;
	v52 =	vand.u32 $0xFFFFFFF0, v10;
	v51 =	vcvt.f32.s32 v50;
	v53 =	vpop (erf)  }
0x250: {  	[tilespmem:v4+s18+$0x0] =	vst.idx.add.f32.msk $0xffff, v15;
	v9 =	vadd.s32 v1, v52;
	v54 =	vtrunc.f32 v49;
	v10 =	vmul.f32 $1.600000000e+02, v53  }
0x251: {  	v0 =	vadd.s32 $0x10000, v0;
	[tilespmem:v11+s16+$0x0] =	vst.idx.add.s32.msk $0xffff, v55;
	v12 =	vcvt.f32.s32 v54;
	v8 =	vand.u32 $0xFFFFFFF0, v51;
	v56 =	vpop (erf)  }
0x252: {  	[tilespmem:v5+s16+$0x0] =	vst.idx.add.s32.msk $0xffff, v0;
	v8 =	vadd.s32 v1, v8;
	v0 =	vmul.f32 $1.600000000e+02, v56;
	v57 =	vtrunc.f32 v10  }
0x253: {  	[tilespmem:v11+s18+$0x0] =	vst.idx.add.f32.msk $0xffff, v3;
	v58 =	vand.u32 $0xFFFFFFF0, v12;
	v59 =	vcvt.f32.s32 v57  }
0x254: {  	v60 =	vadd.s32 $0x10000, v62;
	[tilespmem:v5+s18+$0x0] =	vst.idx.add.f32.msk $0xffff, v41;
	v5 =	vadd.s32 v1, v58;
	v61 =	vtrunc.f32 v0  }
0x255: {  	[tilespmem:v9+s16+$0x0] =	vst.idx.add.s32.msk $0xffff, v60;
	v3 =	vcvt.f32.s32 v61;
	v6 =	vand.u32 $0xFFFFFFF0, v59  }
0x256: {  	v62 =	vadd.s32 $0x10000, v29;
	[tilespmem:v9+s18+$0x0] =	vst.idx.add.f32.msk $0xffff, v2;
	v6 =	vadd.s32 v1, v6  }
0x257: {  	[tilespmem:v8+s16+$0x0] =	vst.idx.add.s32.msk $0xffff, v62;
	v2 =	vand.u32 $0xFFFFFFF0, v3  }
0x258: {  	v3 =	vadd.s32 $0x10000, v37;
	[tilespmem:v8+s18+$0x0] =	vst.idx.add.f32.msk $0xffff, v7;
	v2 =	vadd.s32 v1, v2  }
0x259: {  	[tilespmem:v5+s16+$0x0] =	vst.idx.add.s32.msk $0xffff, v3  }
.Ltmp4:
0x25a: {  	v3 =	vadd.s32 $0x10000, v38;
	[tilespmem:v5+s18+$0x0] =	vst.idx.add.f32.msk $0xffff, v49;
	(pc) =	sbr.rel @p0 .LBB2_8-.Ltmp4, $4  }
0x25b: {  	[tilespmem:v6+s16+$0x0] =	vst.idx.add.s32.msk $0xffff, v3  }
0x25c: {  	v3 =	vadd.s32 $0x10000, v31;
	[tilespmem:v6+s18+$0x0] =	vst.idx.add.f32.msk $0xffff, v10  }
0x25d: {  	[tilespmem:v2+s16+$0x0] =	vst.idx.add.s32.msk $0xffff, v3  }
0x25e: {  	[tilespmem:v2+s18+$0x0] =	vst.idx.add.f32.msk $0xffff, v0  }
0x25f: {  	s0 =	sadd.s32 s31, s12  }
.Ltmp5:
0x260: {  	s0 =	sshrl.u32 s0, $0x3;
	(pc) =	sbr.rel .LBB2_2-.Ltmp5, $4  }
0x261: {  	s4 =	sadd.s32 s1, s0  }
0x262: {  	[tilespmem:s20], [sflag:$0x3] =	stream.linear.gather [hbm4b:s4+s3], $0x4000, $0x38;
	[tilespmem:$0x10300] =	vst v63  }
0x263: {  	s30 =	sadd.s32 $0x1, s30;
	s0 =	sadd.s32 s2, s0  }
0x264: {  	[tilespmem:s21], [sflag:$0x4] =	stream.linear.gather [hbm4b:s0+s3], $0x4000, $0x38;
	[tilespmem:$0x10300] =	vst v63  }
.LBB2_9:
0x265: {  	_ =	sfence.sel $0x180000  }
0x266: {  	[bflag:$0x0] =	sbarrier.arrive $0xFFFF  }
0x267: {  	_ =	strace $0x90000047  }
0x268: {  	s0 =	stileid.u32;
	[bflag:$0x2] =	sbarrier.arrive $0xFFFF  }
0x269: {  	p0 =	sne.s32 s0, $0x0;
	s0 =	rddreg [dreg:$0x5]  }
0x26a: {  	s0 =	sadd.s32 @!p0 $0x100000, s0  }
0x26b: {  	[sflag:s0] =	ssyncadd.tile.s32 @!p0 $0x1;
	_ =	shalt  }
.Lfunc_end2:
_tile_overlayer_lowered:
.L_overlay_start_2:
0x26c: {  	(tag) =	ssettag $0x2  }
0x26d: {  	s0 =	rddreg [dreg:$0x0];
	s2 =	stileid.u32  }
0x26e: {  	s1 =	rddreg [dreg:$0x1];
	p0 =	sne.s32 s2, $0x0  }
0x26f: {  	s3 =	rddreg [dreg:$0x2];
	[bflag:$0x3] =	sbarrier.arrive $0xFFFF;
	s2 =	simm.s32 @!p0 $0x1C05  }
0x270: {  	[timem:s3], [sflag:s2] =	dma.local @!p0 [hbm:s0], s1  }
0x271: {  	s0 =	simm.s32 @!p0 $0x5  }
0x272: {  	_ =	swait.ge @!p0 [sflag:s0], s1  }
0x273: {  	s1 =	ssub.s32 @!p0 $0x0, s1;
	[sflag:s0] =	ssyncset.done @!p0 $0x0  }
0x274: {  	[sflag:s0] =	ssyncadd.s32 @!p0 s1  }
0x275: {  	[bflag:$0x3] =	sbarrier.arrive $0xFFFF  }
0x276: {  	_ =	shalt  }

</sc_bundles>
